<compile_context>
chip_gen: v7x
topology: tpu7x:2x2x1
jax: 0.10.2.dev20260603
libtpu: 0.0.44.dev20260713+nightly
codegen_flags: <defaults>
</compile_context>

<pallas_src>
import functools

import jax
import jax.numpy as jnp
from jax import lax
from jax.experimental import pallas as pl
from jax.experimental.pallas import tpu as pltpu
from jax.experimental.pallas import tpu_sc as plsc

_NC, _NS = 2, 16
_NW = _NC * _NS
_NMEM = 16
_WH, _C = 1024, 64
_QRT = _WH // 4
_G_SC = 8
_RPW = _G_SC * _NMEM // _NW


def _sc_body(x_hbm, out_hbm, buf0, buf1, resm, sem0, sem1):
    cid = lax.axis_index("c")
    sid = lax.axis_index("s")
    w = sid * _NC + cid
    base = w * _RPW

    bufs = (buf0, buf1)
    sems = (sem0, sem1)
    copies = [None, None]
    copies[0] = pltpu.async_copy(
        x_hbm.at[base, pl.ds(0, _QRT), :], buf0, sem0)

    neg_inf = jnp.full((16,), -jnp.inf, jnp.float32)
    accs = (neg_inf, neg_inf, neg_inf, neg_inf)
    nchunks = _RPW * 4
    for c in range(nchunks):
        nc = c + 1
        if nc < nchunks:
            copies[nc % 2] = pltpu.async_copy(
                x_hbm.at[base + nc // 4, pl.ds((nc % 4) * _QRT, _QRT), :],
                bufs[nc % 2], sems[nc % 2])
        copies[c % 2].wait()
        buf = bufs[c % 2]

        @plsc.parallel_loop(0, _QRT, step=1, unroll=8, carry=accs)
        def accs(i, a, buf=buf):
            a0, a1, a2, a3 = a
            a0 = jnp.maximum(a0, buf[i, pl.ds(0, 16)])
            a1 = jnp.maximum(a1, buf[i, pl.ds(16, 16)])
            a2 = jnp.maximum(a2, buf[i, pl.ds(32, 16)])
            a3 = jnp.maximum(a3, buf[i, pl.ds(48, 16)])
            return (a0, a1, a2, a3)

        if c % 4 == 3:
            a0, a1, a2, a3 = accs
            resm[c // 4, :] = jnp.maximum(jnp.maximum(a0, a1),
                                          jnp.maximum(a2, a3))
            accs = (neg_inf, neg_inf, neg_inf, neg_inf)

    pltpu.sync_copy(resm, out_hbm.at[w])


def _tc_max(x_ref, out_ref):
    x = x_ref[...]
    out_ref[0, 0] = jnp.max(x, axis=(1, 2))


def _tc_finish(psc_ref, ptc_ref, mask_ref, out_ref):
    psc = psc_ref[...]
    m_sc = jnp.max(psc, axis=2)
    m_tc = ptc_ref[:, 0, :]
    m = jnp.concatenate([m_sc, m_tc], axis=0)
    msk = mask_ref[...].astype(jnp.float32)
    val = jnp.sum(m * msk, axis=1) / jnp.sum(msk, axis=1)
    out_ref[...] = jnp.broadcast_to(val[:, None], out_ref.shape)


def kernel(ptm, mem_mask):
    nframes, nseq, nmem, c, w, h = ptm.shape
    ns = nframes * nseq
    x = ptm.transpose(0, 1, 2, 4, 5, 3).reshape(ns * nmem, w * h, c)
    mask2 = mem_mask.reshape(ns, nmem)

    mesh = plsc.VectorSubcoreMesh(
        core_axis_name="c", subcore_axis_name="s")
    sc_run = functools.partial(
        pl.kernel,
        out_type=jax.ShapeDtypeStruct((_NW, _RPW, 16), jnp.float32),
        mesh=mesh,
        scratch_types=[
            pltpu.VMEM((_QRT, _C), jnp.float32),
            pltpu.VMEM((_QRT, _C), jnp.float32),
            pltpu.VMEM((_RPW, 16), jnp.float32),
            pltpu.SemaphoreType.DMA,
            pltpu.SemaphoreType.DMA,
        ],
    )(_sc_body)
    partials_sc = sc_run(x)

    n_tc = ns - _G_SC
    ptc = pl.pallas_call(
        _tc_max,
        grid=(n_tc,),
        in_specs=[
            pl.BlockSpec((nmem, w * h, c), lambda i: (i + _G_SC, 0, 0)),
        ],
        out_specs=pl.BlockSpec((1, 1, nmem), lambda i: (i, 0, 0)),
        out_shape=jax.ShapeDtypeStruct((n_tc, 1, nmem), jnp.float32),
    )(x)

    out = pl.pallas_call(
        _tc_finish,
        out_shape=jax.ShapeDtypeStruct((ns, 128), jnp.float32),
    )(partials_sc.reshape(_G_SC, _NMEM, 16), ptc, mask2)
    return out[:, 0]

# --- scband reference (transcript-rebuilt; emitter-appended) ---
"""Pipeline reference for scband-bin-overlap-prediction-from-max-proj-manual-module-85023172592447 (READ-ONLY COPY).

The authoritative reference and input builder live on the scoring server;
editing this copy changes nothing except your own understanding.
"""

import jax, jax.numpy as jnp
import numpy as np


def setup_inputs(seed: int = 0) -> dict:
    key = jax.random.key(seed)
    ptm = jax.random.normal(jax.random.fold_in(key, 0), (8, 4, 16, 64, 32, 32), dtype=jnp.float32)
    # mem_mask: all-True so every row has at least one valid memory slot (avoids NaN means)
    mem_mask = jnp.ones((8, 4, 16), dtype=bool)
    return {"ptm": ptm, "mem_mask": mem_mask}


def reference(ptm, mem_mask):
    # gth_only=False path of BinOverlapPredictionFromMaxProjManualModule
    nframes, nseq, nmem, c, w, h = ptm.shape
    ns = nframes * nseq
    ptm_flat = ptm.reshape(ns, nmem, c * w * h)
    mask = mem_mask.reshape(ns, nmem)
    # max over flattened (c, w, h) per memory slot
    ptm_max = jnp.max(ptm_flat, axis=2)  # [ns, nmem]
    # masked mean over the memory dimension == torch.mean(ptm_max[i, mem_mask[i]], dim=0)
    mask_f = mask.astype(ptm.dtype)
    ptm_max_avg = jnp.sum(ptm_max * mask_f, axis=1) / jnp.sum(mask_f, axis=1)  # [ns]
    return ptm_max_avg

if __name__ == "__main__":
    import jax
    _d = setup_inputs()
    print(jax.jit(kernel)(*tuple(_d.values())))

</pallas_src>

<mosaic_0001>
#map = affine_map<(d0, d1) -> (0, 0, 0)>
module attributes {stable_mosaic.version = 14 : i64} {
  func.func @_sc_body(%arg0: i32, %arg1: i32, %arg2: memref<512x1024x64xf32, #tpu.memory_space<hbm>>, %arg3: memref<32x4x16xf32, #tpu.memory_space<hbm>>, %arg4: memref<256x64xf32, #tpu.memory_space<vmem>>, %arg5: memref<256x64xf32, #tpu.memory_space<vmem>>, %arg6: memref<4x16xf32, #tpu.memory_space<vmem>>, %arg7: memref<!tpu.dma_semaphore, #tpu.memory_space<semaphore_mem>>, %arg8: memref<!tpu.dma_semaphore, #tpu.memory_space<semaphore_mem>>) attributes {dimension_semantics = [#tpu.dimension_semantics<core_parallel>, #tpu.dimension_semantics<subcore_parallel>], iteration_bounds = array<i64: 2, 16>, scalar_prefetch = 0 : i64, scratch_operands = 5 : i64, tpu.core_type = #tpu.core_type<sc_vector_subcore>, window_params = [{transform_indices = #map}, {transform_indices = #map}]} {
    %mul3A = arith.constant 2 : i32
    %mul3A_0 = arith.muli %arg1, %mul3A : i32
    %add3A = arith.addi %mul3A_0, %arg0 : i32
    %mul3A_1 = arith.constant 4 : i32
    %mul3A_2 = arith.muli %add3A, %mul3A_1 : i32
    %dma_start3A = arith.constant 0 : i32
    %dma_start3A_3 = arith.constant 0 : i32
    %dma_start3A_4 = tpu.memref_slice %arg2[%mul3A_2, %dma_start3A, %dma_start3A_3] : memref<512x1024x64xf32, #tpu.memory_space<hbm>> -> memref<1x256x64xf32, #tpu.memory_space<hbm>>
    %dma_start3A_5 = tpu.memref_squeeze %dma_start3A_4 : memref<1x256x64xf32, #tpu.memory_space<hbm>> -> memref<256x64xf32, #tpu.memory_space<hbm>>
    %dma_start3A_6 = arith.constant 0 : i32
    %dma_start3A_7 = arith.constant 0 : i32
    %dma_start3A_8 = tpu.memref_slice %arg2[%mul3A_2, %dma_start3A_6, %dma_start3A_7] : memref<512x1024x64xf32, #tpu.memory_space<hbm>> -> memref<1x256x64xf32, #tpu.memory_space<hbm>>
    %dma_start3A_9 = tpu.memref_squeeze %dma_start3A_8 : memref<1x256x64xf32, #tpu.memory_space<hbm>> -> memref<256x64xf32, #tpu.memory_space<hbm>>
    tpu.enqueue_dma source(%dma_start3A_9 : memref<256x64xf32, #tpu.memory_space<hbm>>) target(%arg4 : memref<256x64xf32, #tpu.memory_space<vmem>>) target_semaphore(%arg7 : memref<!tpu.dma_semaphore, #tpu.memory_space<semaphore_mem>>)
    %broadcast_in_dim3A = arith.constant 0xFF800000 : f32
    %broadcast_in_dim3A_10 = vector.broadcast %broadcast_in_dim3A : f32 to vector<16xf32>
    %add3A_11 = arith.constant 0 : i32
    %add3A_12 = arith.addi %mul3A_2, %add3A_11 : i32
    %dma_start3A_13 = arith.constant 256 : i32
    %dma_start3A_14 = arith.constant 0 : i32
    %dma_start3A_15 = tpu.memref_slice %arg2[%add3A_12, %dma_start3A_13, %dma_start3A_14] : memref<512x1024x64xf32, #tpu.memory_space<hbm>> -> memref<1x256x64xf32, #tpu.memory_space<hbm>>
    %dma_start3A_16 = tpu.memref_squeeze %dma_start3A_15 : memref<1x256x64xf32, #tpu.memory_space<hbm>> -> memref<256x64xf32, #tpu.memory_space<hbm>>
    %dma_start3A_17 = arith.constant 256 : i32
    %dma_start3A_18 = arith.constant 0 : i32
    %dma_start3A_19 = tpu.memref_slice %arg2[%add3A_12, %dma_start3A_17, %dma_start3A_18] : memref<512x1024x64xf32, #tpu.memory_space<hbm>> -> memref<1x256x64xf32, #tpu.memory_space<hbm>>
    %dma_start3A_20 = tpu.memref_squeeze %dma_start3A_19 : memref<1x256x64xf32, #tpu.memory_space<hbm>> -> memref<256x64xf32, #tpu.memory_space<hbm>>
    tpu.enqueue_dma source(%dma_start3A_20 : memref<256x64xf32, #tpu.memory_space<hbm>>) target(%arg5 : memref<256x64xf32, #tpu.memory_space<vmem>>) target_semaphore(%arg8 : memref<!tpu.dma_semaphore, #tpu.memory_space<semaphore_mem>>)
    %dma_wait3A = arith.constant 0 : i32
    %dma_wait3A_21 = arith.constant 0 : i32
    %dma_wait3A_22 = tpu.memref_slice %arg2[%mul3A_2, %dma_wait3A, %dma_wait3A_21] : memref<512x1024x64xf32, #tpu.memory_space<hbm>> -> memref<1x256x64xf32, #tpu.memory_space<hbm>>
    %dma_wait3A_23 = tpu.memref_squeeze %dma_wait3A_22 : memref<1x256x64xf32, #tpu.memory_space<hbm>> -> memref<256x64xf32, #tpu.memory_space<hbm>>
    %dma_wait3A_24 = arith.constant 0 : i32
    %dma_wait3A_25 = arith.constant 0 : i32
    %dma_wait3A_26 = tpu.memref_slice %arg2[%mul3A_2, %dma_wait3A_24, %dma_wait3A_25] : memref<512x1024x64xf32, #tpu.memory_space<hbm>> -> memref<1x256x64xf32, #tpu.memory_space<hbm>>
    %dma_wait3A_27 = tpu.memref_squeeze %dma_wait3A_26 : memref<1x256x64xf32, #tpu.memory_space<hbm>> -> memref<256x64xf32, #tpu.memory_space<hbm>>
    tpu.wait_dma2 semaphore(%arg7 : memref<!tpu.dma_semaphore, #tpu.memory_space<semaphore_mem>>) src(%dma_wait3A_27 : memref<256x64xf32, #tpu.memory_space<hbm>>) dst(%arg4 : memref<256x64xf32, #tpu.memory_space<vmem>>)
    %parallel_loop3A = arith.constant 0 : i32
    %parallel_loop3A_28 = arith.constant 256 : i32
    %parallel_loop3A_29 = arith.constant 1 : i32
    %parallel_loop3A_30:4 = scf.for %parallel_loop3A_385 = %parallel_loop3A to %parallel_loop3A_28 step %parallel_loop3A_29 iter_args(%parallel_loop3A_386 = %broadcast_in_dim3A_10, %parallel_loop3A_387 = %broadcast_in_dim3A_10, %parallel_loop3A_388 = %broadcast_in_dim3A_10, %parallel_loop3A_389 = %broadcast_in_dim3A_10) -> (vector<16xf32>, vector<16xf32>, vector<16xf32>, vector<16xf32>)  : i32 {
      %parallel_loop3A_390 = arith.index_cast %parallel_loop3A_385 : i32 to index
      %parallel_loop3A_391 = arith.constant 0 : index
      %parallel_loop3A_392 = tpu.vector_load %arg4[%parallel_loop3A_390, %parallel_loop3A_391] {strides = array<i32>} : memref<256x64xf32, #tpu.memory_space<vmem>>, vector<1x16xf32>,
      %parallel_loop3A_393 = vector.shape_cast %parallel_loop3A_392 : vector<1x16xf32> to vector<16xf32>
      %parallel_loop3A_394 = arith.maximumf %parallel_loop3A_386, %parallel_loop3A_393 : vector<16xf32>
      %parallel_loop3A_395 = arith.index_cast %parallel_loop3A_385 : i32 to index
      %parallel_loop3A_396 = arith.constant 16 : index
      %parallel_loop3A_397 = tpu.vector_load %arg4[%parallel_loop3A_395, %parallel_loop3A_396] {strides = array<i32>} : memref<256x64xf32, #tpu.memory_space<vmem>>, vector<1x16xf32>,
      %parallel_loop3A_398 = vector.shape_cast %parallel_loop3A_397 : vector<1x16xf32> to vector<16xf32>
      %parallel_loop3A_399 = arith.maximumf %parallel_loop3A_387, %parallel_loop3A_398 : vector<16xf32>
      %parallel_loop3A_400 = arith.index_cast %parallel_loop3A_385 : i32 to index
      %parallel_loop3A_401 = arith.constant 32 : index
      %parallel_loop3A_402 = tpu.vector_load %arg4[%parallel_loop3A_400, %parallel_loop3A_401] {strides = array<i32>} : memref<256x64xf32, #tpu.memory_space<vmem>>, vector<1x16xf32>,
      %parallel_loop3A_403 = vector.shape_cast %parallel_loop3A_402 : vector<1x16xf32> to vector<16xf32>
      %parallel_loop3A_404 = arith.maximumf %parallel_loop3A_388, %parallel_loop3A_403 : vector<16xf32>
      %parallel_loop3A_405 = arith.index_cast %parallel_loop3A_385 : i32 to index
      %parallel_loop3A_406 = arith.constant 48 : index
      %parallel_loop3A_407 = tpu.vector_load %arg4[%parallel_loop3A_405, %parallel_loop3A_406] {strides = array<i32>} : memref<256x64xf32, #tpu.memory_space<vmem>>, vector<1x16xf32>,
      %parallel_loop3A_408 = vector.shape_cast %parallel_loop3A_407 : vector<1x16xf32> to vector<16xf32>
      %parallel_loop3A_409 = arith.maximumf %parallel_loop3A_389, %parallel_loop3A_408 : vector<16xf32>
      scf.yield %parallel_loop3A_394, %parallel_loop3A_399, %parallel_loop3A_404, %parallel_loop3A_409 : vector<16xf32>, vector<16xf32>, vector<16xf32>, vector<16xf32>
    } {sc.loop_unroll_factor = 8 : i64, sc.parallel_access}
    %add3A_31 = arith.constant 0 : i32
    %add3A_32 = arith.addi %mul3A_2, %add3A_31 : i32
    %dma_start3A_33 = arith.constant 512 : i32
    %dma_start3A_34 = arith.constant 0 : i32
    %dma_start3A_35 = tpu.memref_slice %arg2[%add3A_32, %dma_start3A_33, %dma_start3A_34] : memref<512x1024x64xf32, #tpu.memory_space<hbm>> -> memref<1x256x64xf32, #tpu.memory_space<hbm>>
    %dma_start3A_36 = tpu.memref_squeeze %dma_start3A_35 : memref<1x256x64xf32, #tpu.memory_space<hbm>> -> memref<256x64xf32, #tpu.memory_space<hbm>>
    %dma_start3A_37 = arith.constant 512 : i32
    %dma_start3A_38 = arith.constant 0 : i32
    %dma_start3A_39 = tpu.memref_slice %arg2[%add3A_32, %dma_start3A_37, %dma_start3A_38] : memref<512x1024x64xf32, #tpu.memory_space<hbm>> -> memref<1x256x64xf32, #tpu.memory_space<hbm>>
    %dma_start3A_40 = tpu.memref_squeeze %dma_start3A_39 : memref<1x256x64xf32, #tpu.memory_space<hbm>> -> memref<256x64xf32, #tpu.memory_space<hbm>>
    tpu.enqueue_dma source(%dma_start3A_40 : memref<256x64xf32, #tpu.memory_space<hbm>>) target(%arg4 : memref<256x64xf32, #tpu.memory_space<vmem>>) target_semaphore(%arg7 : memref<!tpu.dma_semaphore, #tpu.memory_space<semaphore_mem>>)
    %dma_wait3A_41 = arith.constant 256 : i32
    %dma_wait3A_42 = arith.constant 0 : i32
    %dma_wait3A_43 = tpu.memref_slice %arg2[%add3A_12, %dma_wait3A_41, %dma_wait3A_42] : memref<512x1024x64xf32, #tpu.memory_space<hbm>> -> memref<1x256x64xf32, #tpu.memory_space<hbm>>
    %dma_wait3A_44 = tpu.memref_squeeze %dma_wait3A_43 : memref<1x256x64xf32, #tpu.memory_space<hbm>> -> memref<256x64xf32, #tpu.memory_space<hbm>>
    %dma_wait3A_45 = arith.constant 256 : i32
    %dma_wait3A_46 = arith.constant 0 : i32
    %dma_wait3A_47 = tpu.memref_slice %arg2[%add3A_12, %dma_wait3A_45, %dma_wait3A_46] : memref<512x1024x64xf32, #tpu.memory_space<hbm>> -> memref<1x256x64xf32, #tpu.memory_space<hbm>>
    %dma_wait3A_48 = tpu.memref_squeeze %dma_wait3A_47 : memref<1x256x64xf32, #tpu.memory_space<hbm>> -> memref<256x64xf32, #tpu.memory_space<hbm>>
    tpu.wait_dma2 semaphore(%arg8 : memref<!tpu.dma_semaphore, #tpu.memory_space<semaphore_mem>>) src(%dma_wait3A_48 : memref<256x64xf32, #tpu.memory_space<hbm>>) dst(%arg5 : memref<256x64xf32, #tpu.memory_space<vmem>>)
    %parallel_loop3A_49 = arith.constant 0 : i32
    %parallel_loop3A_50 = arith.constant 256 : i32
    %parallel_loop3A_51 = arith.constant 1 : i32
    %parallel_loop3A_52:4 = scf.for %parallel_loop3A_385 = %parallel_loop3A_49 to %parallel_loop3A_50 step %parallel_loop3A_51 iter_args(%parallel_loop3A_386 = %parallel_loop3A_30#0, %parallel_loop3A_387 = %parallel_loop3A_30#1, %parallel_loop3A_388 = %parallel_loop3A_30#2, %parallel_loop3A_389 = %parallel_loop3A_30#3) -> (vector<16xf32>, vector<16xf32>, vector<16xf32>, vector<16xf32>)  : i32 {
      %parallel_loop3A_390 = arith.index_cast %parallel_loop3A_385 : i32 to index
      %parallel_loop3A_391 = arith.constant 0 : index
      %parallel_loop3A_392 = tpu.vector_load %arg5[%parallel_loop3A_390, %parallel_loop3A_391] {strides = array<i32>} : memref<256x64xf32, #tpu.memory_space<vmem>>, vector<1x16xf32>,
      %parallel_loop3A_393 = vector.shape_cast %parallel_loop3A_392 : vector<1x16xf32> to vector<16xf32>
      %parallel_loop3A_394 = arith.maximumf %parallel_loop3A_386, %parallel_loop3A_393 : vector<16xf32>
      %parallel_loop3A_395 = arith.index_cast %parallel_loop3A_385 : i32 to index
      %parallel_loop3A_396 = arith.constant 16 : index
      %parallel_loop3A_397 = tpu.vector_load %arg5[%parallel_loop3A_395, %parallel_loop3A_396] {strides = array<i32>} : memref<256x64xf32, #tpu.memory_space<vmem>>, vector<1x16xf32>,
      %parallel_loop3A_398 = vector.shape_cast %parallel_loop3A_397 : vector<1x16xf32> to vector<16xf32>
      %parallel_loop3A_399 = arith.maximumf %parallel_loop3A_387, %parallel_loop3A_398 : vector<16xf32>
      %parallel_loop3A_400 = arith.index_cast %parallel_loop3A_385 : i32 to index
      %parallel_loop3A_401 = arith.constant 32 : index
      %parallel_loop3A_402 = tpu.vector_load %arg5[%parallel_loop3A_400, %parallel_loop3A_401] {strides = array<i32>} : memref<256x64xf32, #tpu.memory_space<vmem>>, vector<1x16xf32>,
      %parallel_loop3A_403 = vector.shape_cast %parallel_loop3A_402 : vector<1x16xf32> to vector<16xf32>
      %parallel_loop3A_404 = arith.maximumf %parallel_loop3A_388, %parallel_loop3A_403 : vector<16xf32>
      %parallel_loop3A_405 = arith.index_cast %parallel_loop3A_385 : i32 to index
      %parallel_loop3A_406 = arith.constant 48 : index
      %parallel_loop3A_407 = tpu.vector_load %arg5[%parallel_loop3A_405, %parallel_loop3A_406] {strides = array<i32>} : memref<256x64xf32, #tpu.memory_space<vmem>>, vector<1x16xf32>,
      %parallel_loop3A_408 = vector.shape_cast %parallel_loop3A_407 : vector<1x16xf32> to vector<16xf32>
      %parallel_loop3A_409 = arith.maximumf %parallel_loop3A_389, %parallel_loop3A_408 : vector<16xf32>
      scf.yield %parallel_loop3A_394, %parallel_loop3A_399, %parallel_loop3A_404, %parallel_loop3A_409 : vector<16xf32>, vector<16xf32>, vector<16xf32>, vector<16xf32>
    } {sc.loop_unroll_factor = 8 : i64, sc.parallel_access}
    %add3A_53 = arith.constant 0 : i32
    %add3A_54 = arith.addi %mul3A_2, %add3A_53 : i32
    %dma_start3A_55 = arith.constant 768 : i32
    %dma_start3A_56 = arith.constant 0 : i32
    %dma_start3A_57 = tpu.memref_slice %arg2[%add3A_54, %dma_start3A_55, %dma_start3A_56] : memref<512x1024x64xf32, #tpu.memory_space<hbm>> -> memref<1x256x64xf32, #tpu.memory_space<hbm>>
    %dma_start3A_58 = tpu.memref_squeeze %dma_start3A_57 : memref<1x256x64xf32, #tpu.memory_space<hbm>> -> memref<256x64xf32, #tpu.memory_space<hbm>>
    %dma_start3A_59 = arith.constant 768 : i32
    %dma_start3A_60 = arith.constant 0 : i32
    %dma_start3A_61 = tpu.memref_slice %arg2[%add3A_54, %dma_start3A_59, %dma_start3A_60] : memref<512x1024x64xf32, #tpu.memory_space<hbm>> -> memref<1x256x64xf32, #tpu.memory_space<hbm>>
    %dma_start3A_62 = tpu.memref_squeeze %dma_start3A_61 : memref<1x256x64xf32, #tpu.memory_space<hbm>> -> memref<256x64xf32, #tpu.memory_space<hbm>>
    tpu.enqueue_dma source(%dma_start3A_62 : memref<256x64xf32, #tpu.memory_space<hbm>>) target(%arg5 : memref<256x64xf32, #tpu.memory_space<vmem>>) target_semaphore(%arg8 : memref<!tpu.dma_semaphore, #tpu.memory_space<semaphore_mem>>)
    %dma_wait3A_63 = arith.constant 512 : i32
    %dma_wait3A_64 = arith.constant 0 : i32
    %dma_wait3A_65 = tpu.memref_slice %arg2[%add3A_32, %dma_wait3A_63, %dma_wait3A_64] : memref<512x1024x64xf32, #tpu.memory_space<hbm>> -> memref<1x256x64xf32, #tpu.memory_space<hbm>>
    %dma_wait3A_66 = tpu.memref_squeeze %dma_wait3A_65 : memref<1x256x64xf32, #tpu.memory_space<hbm>> -> memref<256x64xf32, #tpu.memory_space<hbm>>
    %dma_wait3A_67 = arith.constant 512 : i32
    %dma_wait3A_68 = arith.constant 0 : i32
    %dma_wait3A_69 = tpu.memref_slice %arg2[%add3A_32, %dma_wait3A_67, %dma_wait3A_68] : memref<512x1024x64xf32, #tpu.memory_space<hbm>> -> memref<1x256x64xf32, #tpu.memory_space<hbm>>
    %dma_wait3A_70 = tpu.memref_squeeze %dma_wait3A_69 : memref<1x256x64xf32, #tpu.memory_space<hbm>> -> memref<256x64xf32, #tpu.memory_space<hbm>>
    tpu.wait_dma2 semaphore(%arg7 : memref<!tpu.dma_semaphore, #tpu.memory_space<semaphore_mem>>) src(%dma_wait3A_70 : memref<256x64xf32, #tpu.memory_space<hbm>>) dst(%arg4 : memref<256x64xf32, #tpu.memory_space<vmem>>)
    %parallel_loop3A_71 = arith.constant 0 : i32
    %parallel_loop3A_72 = arith.constant 256 : i32
    %parallel_loop3A_73 = arith.constant 1 : i32
    %parallel_loop3A_74:4 = scf.for %parallel_loop3A_385 = %parallel_loop3A_71 to %parallel_loop3A_72 step %parallel_loop3A_73 iter_args(%parallel_loop3A_386 = %parallel_loop3A_52#0, %parallel_loop3A_387 = %parallel_loop3A_52#1, %parallel_loop3A_388 = %parallel_loop3A_52#2, %parallel_loop3A_389 = %parallel_loop3A_52#3) -> (vector<16xf32>, vector<16xf32>, vector<16xf32>, vector<16xf32>)  : i32 {
      %parallel_loop3A_390 = arith.index_cast %parallel_loop3A_385 : i32 to index
      %parallel_loop3A_391 = arith.constant 0 : index
      %parallel_loop3A_392 = tpu.vector_load %arg4[%parallel_loop3A_390, %parallel_loop3A_391] {strides = array<i32>} : memref<256x64xf32, #tpu.memory_space<vmem>>, vector<1x16xf32>,
      %parallel_loop3A_393 = vector.shape_cast %parallel_loop3A_392 : vector<1x16xf32> to vector<16xf32>
      %parallel_loop3A_394 = arith.maximumf %parallel_loop3A_386, %parallel_loop3A_393 : vector<16xf32>
      %parallel_loop3A_395 = arith.index_cast %parallel_loop3A_385 : i32 to index
      %parallel_loop3A_396 = arith.constant 16 : index
      %parallel_loop3A_397 = tpu.vector_load %arg4[%parallel_loop3A_395, %parallel_loop3A_396] {strides = array<i32>} : memref<256x64xf32, #tpu.memory_space<vmem>>, vector<1x16xf32>,
      %parallel_loop3A_398 = vector.shape_cast %parallel_loop3A_397 : vector<1x16xf32> to vector<16xf32>
      %parallel_loop3A_399 = arith.maximumf %parallel_loop3A_387, %parallel_loop3A_398 : vector<16xf32>
      %parallel_loop3A_400 = arith.index_cast %parallel_loop3A_385 : i32 to index
      %parallel_loop3A_401 = arith.constant 32 : index
      %parallel_loop3A_402 = tpu.vector_load %arg4[%parallel_loop3A_400, %parallel_loop3A_401] {strides = array<i32>} : memref<256x64xf32, #tpu.memory_space<vmem>>, vector<1x16xf32>,
      %parallel_loop3A_403 = vector.shape_cast %parallel_loop3A_402 : vector<1x16xf32> to vector<16xf32>
      %parallel_loop3A_404 = arith.maximumf %parallel_loop3A_388, %parallel_loop3A_403 : vector<16xf32>
      %parallel_loop3A_405 = arith.index_cast %parallel_loop3A_385 : i32 to index
      %parallel_loop3A_406 = arith.constant 48 : index
      %parallel_loop3A_407 = tpu.vector_load %arg4[%parallel_loop3A_405, %parallel_loop3A_406] {strides = array<i32>} : memref<256x64xf32, #tpu.memory_space<vmem>>, vector<1x16xf32>,
      %parallel_loop3A_408 = vector.shape_cast %parallel_loop3A_407 : vector<1x16xf32> to vector<16xf32>
      %parallel_loop3A_409 = arith.maximumf %parallel_loop3A_389, %parallel_loop3A_408 : vector<16xf32>
      scf.yield %parallel_loop3A_394, %parallel_loop3A_399, %parallel_loop3A_404, %parallel_loop3A_409 : vector<16xf32>, vector<16xf32>, vector<16xf32>, vector<16xf32>
    } {sc.loop_unroll_factor = 8 : i64, sc.parallel_access}
    %add3A_75 = arith.constant 1 : i32
    %add3A_76 = arith.addi %mul3A_2, %add3A_75 : i32
    %dma_start3A_77 = arith.constant 0 : i32
    %dma_start3A_78 = arith.constant 0 : i32
    %dma_start3A_79 = tpu.memref_slice %arg2[%add3A_76, %dma_start3A_77, %dma_start3A_78] : memref<512x1024x64xf32, #tpu.memory_space<hbm>> -> memref<1x256x64xf32, #tpu.memory_space<hbm>>
    %dma_start3A_80 = tpu.memref_squeeze %dma_start3A_79 : memref<1x256x64xf32, #tpu.memory_space<hbm>> -> memref<256x64xf32, #tpu.memory_space<hbm>>
    %dma_start3A_81 = arith.constant 0 : i32
    %dma_start3A_82 = arith.constant 0 : i32
    %dma_start3A_83 = tpu.memref_slice %arg2[%add3A_76, %dma_start3A_81, %dma_start3A_82] : memref<512x1024x64xf32, #tpu.memory_space<hbm>> -> memref<1x256x64xf32, #tpu.memory_space<hbm>>
    %dma_start3A_84 = tpu.memref_squeeze %dma_start3A_83 : memref<1x256x64xf32, #tpu.memory_space<hbm>> -> memref<256x64xf32, #tpu.memory_space<hbm>>
    tpu.enqueue_dma source(%dma_start3A_84 : memref<256x64xf32, #tpu.memory_space<hbm>>) target(%arg4 : memref<256x64xf32, #tpu.memory_space<vmem>>) target_semaphore(%arg7 : memref<!tpu.dma_semaphore, #tpu.memory_space<semaphore_mem>>)
    %dma_wait3A_85 = arith.constant 768 : i32
    %dma_wait3A_86 = arith.constant 0 : i32
    %dma_wait3A_87 = tpu.memref_slice %arg2[%add3A_54, %dma_wait3A_85, %dma_wait3A_86] : memref<512x1024x64xf32, #tpu.memory_space<hbm>> -> memref<1x256x64xf32, #tpu.memory_space<hbm>>
    %dma_wait3A_88 = tpu.memref_squeeze %dma_wait3A_87 : memref<1x256x64xf32, #tpu.memory_space<hbm>> -> memref<256x64xf32, #tpu.memory_space<hbm>>
    %dma_wait3A_89 = arith.constant 768 : i32
    %dma_wait3A_90 = arith.constant 0 : i32
    %dma_wait3A_91 = tpu.memref_slice %arg2[%add3A_54, %dma_wait3A_89, %dma_wait3A_90] : memref<512x1024x64xf32, #tpu.memory_space<hbm>> -> memref<1x256x64xf32, #tpu.memory_space<hbm>>
    %dma_wait3A_92 = tpu.memref_squeeze %dma_wait3A_91 : memref<1x256x64xf32, #tpu.memory_space<hbm>> -> memref<256x64xf32, #tpu.memory_space<hbm>>
    tpu.wait_dma2 semaphore(%arg8 : memref<!tpu.dma_semaphore, #tpu.memory_space<semaphore_mem>>) src(%dma_wait3A_92 : memref<256x64xf32, #tpu.memory_space<hbm>>) dst(%arg5 : memref<256x64xf32, #tpu.memory_space<vmem>>)
    %parallel_loop3A_93 = arith.constant 0 : i32
    %parallel_loop3A_94 = arith.constant 256 : i32
    %parallel_loop3A_95 = arith.constant 1 : i32
    %parallel_loop3A_96:4 = scf.for %parallel_loop3A_385 = %parallel_loop3A_93 to %parallel_loop3A_94 step %parallel_loop3A_95 iter_args(%parallel_loop3A_386 = %parallel_loop3A_74#0, %parallel_loop3A_387 = %parallel_loop3A_74#1, %parallel_loop3A_388 = %parallel_loop3A_74#2, %parallel_loop3A_389 = %parallel_loop3A_74#3) -> (vector<16xf32>, vector<16xf32>, vector<16xf32>, vector<16xf32>)  : i32 {
      %parallel_loop3A_390 = arith.index_cast %parallel_loop3A_385 : i32 to index
      %parallel_loop3A_391 = arith.constant 0 : index
      %parallel_loop3A_392 = tpu.vector_load %arg5[%parallel_loop3A_390, %parallel_loop3A_391] {strides = array<i32>} : memref<256x64xf32, #tpu.memory_space<vmem>>, vector<1x16xf32>,
      %parallel_loop3A_393 = vector.shape_cast %parallel_loop3A_392 : vector<1x16xf32> to vector<16xf32>
      %parallel_loop3A_394 = arith.maximumf %parallel_loop3A_386, %parallel_loop3A_393 : vector<16xf32>
      %parallel_loop3A_395 = arith.index_cast %parallel_loop3A_385 : i32 to index
      %parallel_loop3A_396 = arith.constant 16 : index
      %parallel_loop3A_397 = tpu.vector_load %arg5[%parallel_loop3A_395, %parallel_loop3A_396] {strides = array<i32>} : memref<256x64xf32, #tpu.memory_space<vmem>>, vector<1x16xf32>,
      %parallel_loop3A_398 = vector.shape_cast %parallel_loop3A_397 : vector<1x16xf32> to vector<16xf32>
      %parallel_loop3A_399 = arith.maximumf %parallel_loop3A_387, %parallel_loop3A_398 : vector<16xf32>
      %parallel_loop3A_400 = arith.index_cast %parallel_loop3A_385 : i32 to index
      %parallel_loop3A_401 = arith.constant 32 : index
      %parallel_loop3A_402 = tpu.vector_load %arg5[%parallel_loop3A_400, %parallel_loop3A_401] {strides = array<i32>} : memref<256x64xf32, #tpu.memory_space<vmem>>, vector<1x16xf32>,
      %parallel_loop3A_403 = vector.shape_cast %parallel_loop3A_402 : vector<1x16xf32> to vector<16xf32>
      %parallel_loop3A_404 = arith.maximumf %parallel_loop3A_388, %parallel_loop3A_403 : vector<16xf32>
      %parallel_loop3A_405 = arith.index_cast %parallel_loop3A_385 : i32 to index
      %parallel_loop3A_406 = arith.constant 48 : index
      %parallel_loop3A_407 = tpu.vector_load %arg5[%parallel_loop3A_405, %parallel_loop3A_406] {strides = array<i32>} : memref<256x64xf32, #tpu.memory_space<vmem>>, vector<1x16xf32>,
      %parallel_loop3A_408 = vector.shape_cast %parallel_loop3A_407 : vector<1x16xf32> to vector<16xf32>
      %parallel_loop3A_409 = arith.maximumf %parallel_loop3A_389, %parallel_loop3A_408 : vector<16xf32>
      scf.yield %parallel_loop3A_394, %parallel_loop3A_399, %parallel_loop3A_404, %parallel_loop3A_409 : vector<16xf32>, vector<16xf32>, vector<16xf32>, vector<16xf32>
    } {sc.loop_unroll_factor = 8 : i64, sc.parallel_access}
    %max3A = arith.maximumf %parallel_loop3A_96#0, %parallel_loop3A_96#1 : vector<16xf32>
    %max3A_97 = arith.maximumf %parallel_loop3A_96#2, %parallel_loop3A_96#3 : vector<16xf32>
    %max3A_98 = arith.maximumf %max3A, %max3A_97 : vector<16xf32>
    %swap3A = arith.constant 0 : i32
    %swap3A_99 = arith.index_cast %swap3A : i32 to index
    %swap3A_100 = arith.constant 0 : index
    %swap3A_101 = tpu.vector_load %arg6[%swap3A_99, %swap3A_100] {strides = array<i32>} : memref<4x16xf32, #tpu.memory_space<vmem>>, vector<1x16xf32>,
    %swap3A_102 = vector.shape_cast %swap3A_101 : vector<1x16xf32> to vector<16xf32>
    %swap3A_103 = vector.shape_cast %max3A_98 : vector<16xf32> to vector<1x16xf32>
    tpu.vector_store %arg6[%swap3A_99, %swap3A_100], %swap3A_103 {strides = array<i32>} : memref<4x16xf32, #tpu.memory_space<vmem>>, vector<1x16xf32>,
    %add3A_104 = arith.constant 1 : i32
    %add3A_105 = arith.addi %mul3A_2, %add3A_104 : i32
    %dma_start3A_106 = arith.constant 256 : i32
    %dma_start3A_107 = arith.constant 0 : i32
    %dma_start3A_108 = tpu.memref_slice %arg2[%add3A_105, %dma_start3A_106, %dma_start3A_107] : memref<512x1024x64xf32, #tpu.memory_space<hbm>> -> memref<1x256x64xf32, #tpu.memory_space<hbm>>
    %dma_start3A_109 = tpu.memref_squeeze %dma_start3A_108 : memref<1x256x64xf32, #tpu.memory_space<hbm>> -> memref<256x64xf32, #tpu.memory_space<hbm>>
    %dma_start3A_110 = arith.constant 256 : i32
    %dma_start3A_111 = arith.constant 0 : i32
    %dma_start3A_112 = tpu.memref_slice %arg2[%add3A_105, %dma_start3A_110, %dma_start3A_111] : memref<512x1024x64xf32, #tpu.memory_space<hbm>> -> memref<1x256x64xf32, #tpu.memory_space<hbm>>
    %dma_start3A_113 = tpu.memref_squeeze %dma_start3A_112 : memref<1x256x64xf32, #tpu.memory_space<hbm>> -> memref<256x64xf32, #tpu.memory_space<hbm>>
    tpu.enqueue_dma source(%dma_start3A_113 : memref<256x64xf32, #tpu.memory_space<hbm>>) target(%arg5 : memref<256x64xf32, #tpu.memory_space<vmem>>) target_semaphore(%arg8 : memref<!tpu.dma_semaphore, #tpu.memory_space<semaphore_mem>>)
    %dma_wait3A_114 = arith.constant 0 : i32
    %dma_wait3A_115 = arith.constant 0 : i32
    %dma_wait3A_116 = tpu.memref_slice %arg2[%add3A_76, %dma_wait3A_114, %dma_wait3A_115] : memref<512x1024x64xf32, #tpu.memory_space<hbm>> -> memref<1x256x64xf32, #tpu.memory_space<hbm>>
    %dma_wait3A_117 = tpu.memref_squeeze %dma_wait3A_116 : memref<1x256x64xf32, #tpu.memory_space<hbm>> -> memref<256x64xf32, #tpu.memory_space<hbm>>
    %dma_wait3A_118 = arith.constant 0 : i32
    %dma_wait3A_119 = arith.constant 0 : i32
    %dma_wait3A_120 = tpu.memref_slice %arg2[%add3A_76, %dma_wait3A_118, %dma_wait3A_119] : memref<512x1024x64xf32, #tpu.memory_space<hbm>> -> memref<1x256x64xf32, #tpu.memory_space<hbm>>
    %dma_wait3A_121 = tpu.memref_squeeze %dma_wait3A_120 : memref<1x256x64xf32, #tpu.memory_space<hbm>> -> memref<256x64xf32, #tpu.memory_space<hbm>>
    tpu.wait_dma2 semaphore(%arg7 : memref<!tpu.dma_semaphore, #tpu.memory_space<semaphore_mem>>) src(%dma_wait3A_121 : memref<256x64xf32, #tpu.memory_space<hbm>>) dst(%arg4 : memref<256x64xf32, #tpu.memory_space<vmem>>)
    %parallel_loop3A_122 = arith.constant 0 : i32
    %parallel_loop3A_123 = arith.constant 256 : i32
    %parallel_loop3A_124 = arith.constant 1 : i32
    %parallel_loop3A_125:4 = scf.for %parallel_loop3A_385 = %parallel_loop3A_122 to %parallel_loop3A_123 step %parallel_loop3A_124 iter_args(%parallel_loop3A_386 = %broadcast_in_dim3A_10, %parallel_loop3A_387 = %broadcast_in_dim3A_10, %parallel_loop3A_388 = %broadcast_in_dim3A_10, %parallel_loop3A_389 = %broadcast_in_dim3A_10) -> (vector<16xf32>, vector<16xf32>, vector<16xf32>, vector<16xf32>)  : i32 {
      %parallel_loop3A_390 = arith.index_cast %parallel_loop3A_385 : i32 to index
      %parallel_loop3A_391 = arith.constant 0 : index
      %parallel_loop3A_392 = tpu.vector_load %arg4[%parallel_loop3A_390, %parallel_loop3A_391] {strides = array<i32>} : memref<256x64xf32, #tpu.memory_space<vmem>>, vector<1x16xf32>,
      %parallel_loop3A_393 = vector.shape_cast %parallel_loop3A_392 : vector<1x16xf32> to vector<16xf32>
      %parallel_loop3A_394 = arith.maximumf %parallel_loop3A_386, %parallel_loop3A_393 : vector<16xf32>
      %parallel_loop3A_395 = arith.index_cast %parallel_loop3A_385 : i32 to index
      %parallel_loop3A_396 = arith.constant 16 : index
      %parallel_loop3A_397 = tpu.vector_load %arg4[%parallel_loop3A_395, %parallel_loop3A_396] {strides = array<i32>} : memref<256x64xf32, #tpu.memory_space<vmem>>, vector<1x16xf32>,
      %parallel_loop3A_398 = vector.shape_cast %parallel_loop3A_397 : vector<1x16xf32> to vector<16xf32>
      %parallel_loop3A_399 = arith.maximumf %parallel_loop3A_387, %parallel_loop3A_398 : vector<16xf32>
      %parallel_loop3A_400 = arith.index_cast %parallel_loop3A_385 : i32 to index
      %parallel_loop3A_401 = arith.constant 32 : index
      %parallel_loop3A_402 = tpu.vector_load %arg4[%parallel_loop3A_400, %parallel_loop3A_401] {strides = array<i32>} : memref<256x64xf32, #tpu.memory_space<vmem>>, vector<1x16xf32>,
      %parallel_loop3A_403 = vector.shape_cast %parallel_loop3A_402 : vector<1x16xf32> to vector<16xf32>
      %parallel_loop3A_404 = arith.maximumf %parallel_loop3A_388, %parallel_loop3A_403 : vector<16xf32>
      %parallel_loop3A_405 = arith.index_cast %parallel_loop3A_385 : i32 to index
      %parallel_loop3A_406 = arith.constant 48 : index
      %parallel_loop3A_407 = tpu.vector_load %arg4[%parallel_loop3A_405, %parallel_loop3A_406] {strides = array<i32>} : memref<256x64xf32, #tpu.memory_space<vmem>>, vector<1x16xf32>,
      %parallel_loop3A_408 = vector.shape_cast %parallel_loop3A_407 : vector<1x16xf32> to vector<16xf32>
      %parallel_loop3A_409 = arith.maximumf %parallel_loop3A_389, %parallel_loop3A_408 : vector<16xf32>
      scf.yield %parallel_loop3A_394, %parallel_loop3A_399, %parallel_loop3A_404, %parallel_loop3A_409 : vector<16xf32>, vector<16xf32>, vector<16xf32>, vector<16xf32>
    } {sc.loop_unroll_factor = 8 : i64, sc.parallel_access}
    %add3A_126 = arith.constant 1 : i32
    %add3A_127 = arith.addi %mul3A_2, %add3A_126 : i32
    %dma_start3A_128 = arith.constant 512 : i32
    %dma_start3A_129 = arith.constant 0 : i32
    %dma_start3A_130 = tpu.memref_slice %arg2[%add3A_127, %dma_start3A_128, %dma_start3A_129] : memref<512x1024x64xf32, #tpu.memory_space<hbm>> -> memref<1x256x64xf32, #tpu.memory_space<hbm>>
    %dma_start3A_131 = tpu.memref_squeeze %dma_start3A_130 : memref<1x256x64xf32, #tpu.memory_space<hbm>> -> memref<256x64xf32, #tpu.memory_space<hbm>>
    %dma_start3A_132 = arith.constant 512 : i32
    %dma_start3A_133 = arith.constant 0 : i32
    %dma_start3A_134 = tpu.memref_slice %arg2[%add3A_127, %dma_start3A_132, %dma_start3A_133] : memref<512x1024x64xf32, #tpu.memory_space<hbm>> -> memref<1x256x64xf32, #tpu.memory_space<hbm>>
    %dma_start3A_135 = tpu.memref_squeeze %dma_start3A_134 : memref<1x256x64xf32, #tpu.memory_space<hbm>> -> memref<256x64xf32, #tpu.memory_space<hbm>>
    tpu.enqueue_dma source(%dma_start3A_135 : memref<256x64xf32, #tpu.memory_space<hbm>>) target(%arg4 : memref<256x64xf32, #tpu.memory_space<vmem>>) target_semaphore(%arg7 : memref<!tpu.dma_semaphore, #tpu.memory_space<semaphore_mem>>)
    %dma_wait3A_136 = arith.constant 256 : i32
    %dma_wait3A_137 = arith.constant 0 : i32
    %dma_wait3A_138 = tpu.memref_slice %arg2[%add3A_105, %dma_wait3A_136, %dma_wait3A_137] : memref<512x1024x64xf32, #tpu.memory_space<hbm>> -> memref<1x256x64xf32, #tpu.memory_space<hbm>>
    %dma_wait3A_139 = tpu.memref_squeeze %dma_wait3A_138 : memref<1x256x64xf32, #tpu.memory_space<hbm>> -> memref<256x64xf32, #tpu.memory_space<hbm>>
    %dma_wait3A_140 = arith.constant 256 : i32
    %dma_wait3A_141 = arith.constant 0 : i32
    %dma_wait3A_142 = tpu.memref_slice %arg2[%add3A_105, %dma_wait3A_140, %dma_wait3A_141] : memref<512x1024x64xf32, #tpu.memory_space<hbm>> -> memref<1x256x64xf32, #tpu.memory_space<hbm>>
    %dma_wait3A_143 = tpu.memref_squeeze %dma_wait3A_142 : memref<1x256x64xf32, #tpu.memory_space<hbm>> -> memref<256x64xf32, #tpu.memory_space<hbm>>
    tpu.wait_dma2 semaphore(%arg8 : memref<!tpu.dma_semaphore, #tpu.memory_space<semaphore_mem>>) src(%dma_wait3A_143 : memref<256x64xf32, #tpu.memory_space<hbm>>) dst(%arg5 : memref<256x64xf32, #tpu.memory_space<vmem>>)
    %parallel_loop3A_144 = arith.constant 0 : i32
    %parallel_loop3A_145 = arith.constant 256 : i32
    %parallel_loop3A_146 = arith.constant 1 : i32
    %parallel_loop3A_147:4 = scf.for %parallel_loop3A_385 = %parallel_loop3A_144 to %parallel_loop3A_145 step %parallel_loop3A_146 iter_args(%parallel_loop3A_386 = %parallel_loop3A_125#0, %parallel_loop3A_387 = %parallel_loop3A_125#1, %parallel_loop3A_388 = %parallel_loop3A_125#2, %parallel_loop3A_389 = %parallel_loop3A_125#3) -> (vector<16xf32>, vector<16xf32>, vector<16xf32>, vector<16xf32>)  : i32 {
      %parallel_loop3A_390 = arith.index_cast %parallel_loop3A_385 : i32 to index
      %parallel_loop3A_391 = arith.constant 0 : index
      %parallel_loop3A_392 = tpu.vector_load %arg5[%parallel_loop3A_390, %parallel_loop3A_391] {strides = array<i32>} : memref<256x64xf32, #tpu.memory_space<vmem>>, vector<1x16xf32>,
      %parallel_loop3A_393 = vector.shape_cast %parallel_loop3A_392 : vector<1x16xf32> to vector<16xf32>
      %parallel_loop3A_394 = arith.maximumf %parallel_loop3A_386, %parallel_loop3A_393 : vector<16xf32>
      %parallel_loop3A_395 = arith.index_cast %parallel_loop3A_385 : i32 to index
      %parallel_loop3A_396 = arith.constant 16 : index
      %parallel_loop3A_397 = tpu.vector_load %arg5[%parallel_loop3A_395, %parallel_loop3A_396] {strides = array<i32>} : memref<256x64xf32, #tpu.memory_space<vmem>>, vector<1x16xf32>,
      %parallel_loop3A_398 = vector.shape_cast %parallel_loop3A_397 : vector<1x16xf32> to vector<16xf32>
      %parallel_loop3A_399 = arith.maximumf %parallel_loop3A_387, %parallel_loop3A_398 : vector<16xf32>
      %parallel_loop3A_400 = arith.index_cast %parallel_loop3A_385 : i32 to index
      %parallel_loop3A_401 = arith.constant 32 : index
      %parallel_loop3A_402 = tpu.vector_load %arg5[%parallel_loop3A_400, %parallel_loop3A_401] {strides = array<i32>} : memref<256x64xf32, #tpu.memory_space<vmem>>, vector<1x16xf32>,
      %parallel_loop3A_403 = vector.shape_cast %parallel_loop3A_402 : vector<1x16xf32> to vector<16xf32>
      %parallel_loop3A_404 = arith.maximumf %parallel_loop3A_388, %parallel_loop3A_403 : vector<16xf32>
      %parallel_loop3A_405 = arith.index_cast %parallel_loop3A_385 : i32 to index
      %parallel_loop3A_406 = arith.constant 48 : index
      %parallel_loop3A_407 = tpu.vector_load %arg5[%parallel_loop3A_405, %parallel_loop3A_406] {strides = array<i32>} : memref<256x64xf32, #tpu.memory_space<vmem>>, vector<1x16xf32>,
      %parallel_loop3A_408 = vector.shape_cast %parallel_loop3A_407 : vector<1x16xf32> to vector<16xf32>
      %parallel_loop3A_409 = arith.maximumf %parallel_loop3A_389, %parallel_loop3A_408 : vector<16xf32>
      scf.yield %parallel_loop3A_394, %parallel_loop3A_399, %parallel_loop3A_404, %parallel_loop3A_409 : vector<16xf32>, vector<16xf32>, vector<16xf32>, vector<16xf32>
    } {sc.loop_unroll_factor = 8 : i64, sc.parallel_access}
    %add3A_148 = arith.constant 1 : i32
    %add3A_149 = arith.addi %mul3A_2, %add3A_148 : i32
    %dma_start3A_150 = arith.constant 768 : i32
    %dma_start3A_151 = arith.constant 0 : i32
    %dma_start3A_152 = tpu.memref_slice %arg2[%add3A_149, %dma_start3A_150, %dma_start3A_151] : memref<512x1024x64xf32, #tpu.memory_space<hbm>> -> memref<1x256x64xf32, #tpu.memory_space<hbm>>
    %dma_start3A_153 = tpu.memref_squeeze %dma_start3A_152 : memref<1x256x64xf32, #tpu.memory_space<hbm>> -> memref<256x64xf32, #tpu.memory_space<hbm>>
    %dma_start3A_154 = arith.constant 768 : i32
    %dma_start3A_155 = arith.constant 0 : i32
    %dma_start3A_156 = tpu.memref_slice %arg2[%add3A_149, %dma_start3A_154, %dma_start3A_155] : memref<512x1024x64xf32, #tpu.memory_space<hbm>> -> memref<1x256x64xf32, #tpu.memory_space<hbm>>
    %dma_start3A_157 = tpu.memref_squeeze %dma_start3A_156 : memref<1x256x64xf32, #tpu.memory_space<hbm>> -> memref<256x64xf32, #tpu.memory_space<hbm>>
    tpu.enqueue_dma source(%dma_start3A_157 : memref<256x64xf32, #tpu.memory_space<hbm>>) target(%arg5 : memref<256x64xf32, #tpu.memory_space<vmem>>) target_semaphore(%arg8 : memref<!tpu.dma_semaphore, #tpu.memory_space<semaphore_mem>>)
    %dma_wait3A_158 = arith.constant 512 : i32
    %dma_wait3A_159 = arith.constant 0 : i32
    %dma_wait3A_160 = tpu.memref_slice %arg2[%add3A_127, %dma_wait3A_158, %dma_wait3A_159] : memref<512x1024x64xf32, #tpu.memory_space<hbm>> -> memref<1x256x64xf32, #tpu.memory_space<hbm>>
    %dma_wait3A_161 = tpu.memref_squeeze %dma_wait3A_160 : memref<1x256x64xf32, #tpu.memory_space<hbm>> -> memref<256x64xf32, #tpu.memory_space<hbm>>
    %dma_wait3A_162 = arith.constant 512 : i32
    %dma_wait3A_163 = arith.constant 0 : i32
    %dma_wait3A_164 = tpu.memref_slice %arg2[%add3A_127, %dma_wait3A_162, %dma_wait3A_163] : memref<512x1024x64xf32, #tpu.memory_space<hbm>> -> memref<1x256x64xf32, #tpu.memory_space<hbm>>
    %dma_wait3A_165 = tpu.memref_squeeze %dma_wait3A_164 : memref<1x256x64xf32, #tpu.memory_space<hbm>> -> memref<256x64xf32, #tpu.memory_space<hbm>>
    tpu.wait_dma2 semaphore(%arg7 : memref<!tpu.dma_semaphore, #tpu.memory_space<semaphore_mem>>) src(%dma_wait3A_165 : memref<256x64xf32, #tpu.memory_space<hbm>>) dst(%arg4 : memref<256x64xf32, #tpu.memory_space<vmem>>)
    %parallel_loop3A_166 = arith.constant 0 : i32
    %parallel_loop3A_167 = arith.constant 256 : i32
    %parallel_loop3A_168 = arith.constant 1 : i32
    %parallel_loop3A_169:4 = scf.for %parallel_loop3A_385 = %parallel_loop3A_166 to %parallel_loop3A_167 step %parallel_loop3A_168 iter_args(%parallel_loop3A_386 = %parallel_loop3A_147#0, %parallel_loop3A_387 = %parallel_loop3A_147#1, %parallel_loop3A_388 = %parallel_loop3A_147#2, %parallel_loop3A_389 = %parallel_loop3A_147#3) -> (vector<16xf32>, vector<16xf32>, vector<16xf32>, vector<16xf32>)  : i32 {
      %parallel_loop3A_390 = arith.index_cast %parallel_loop3A_385 : i32 to index
      %parallel_loop3A_391 = arith.constant 0 : index
      %parallel_loop3A_392 = tpu.vector_load %arg4[%parallel_loop3A_390, %parallel_loop3A_391] {strides = array<i32>} : memref<256x64xf32, #tpu.memory_space<vmem>>, vector<1x16xf32>,
      %parallel_loop3A_393 = vector.shape_cast %parallel_loop3A_392 : vector<1x16xf32> to vector<16xf32>
      %parallel_loop3A_394 = arith.maximumf %parallel_loop3A_386, %parallel_loop3A_393 : vector<16xf32>
      %parallel_loop3A_395 = arith.index_cast %parallel_loop3A_385 : i32 to index
      %parallel_loop3A_396 = arith.constant 16 : index
      %parallel_loop3A_397 = tpu.vector_load %arg4[%parallel_loop3A_395, %parallel_loop3A_396] {strides = array<i32>} : memref<256x64xf32, #tpu.memory_space<vmem>>, vector<1x16xf32>,
      %parallel_loop3A_398 = vector.shape_cast %parallel_loop3A_397 : vector<1x16xf32> to vector<16xf32>
      %parallel_loop3A_399 = arith.maximumf %parallel_loop3A_387, %parallel_loop3A_398 : vector<16xf32>
      %parallel_loop3A_400 = arith.index_cast %parallel_loop3A_385 : i32 to index
      %parallel_loop3A_401 = arith.constant 32 : index
      %parallel_loop3A_402 = tpu.vector_load %arg4[%parallel_loop3A_400, %parallel_loop3A_401] {strides = array<i32>} : memref<256x64xf32, #tpu.memory_space<vmem>>, vector<1x16xf32>,
      %parallel_loop3A_403 = vector.shape_cast %parallel_loop3A_402 : vector<1x16xf32> to vector<16xf32>
      %parallel_loop3A_404 = arith.maximumf %parallel_loop3A_388, %parallel_loop3A_403 : vector<16xf32>
      %parallel_loop3A_405 = arith.index_cast %parallel_loop3A_385 : i32 to index
      %parallel_loop3A_406 = arith.constant 48 : index
      %parallel_loop3A_407 = tpu.vector_load %arg4[%parallel_loop3A_405, %parallel_loop3A_406] {strides = array<i32>} : memref<256x64xf32, #tpu.memory_space<vmem>>, vector<1x16xf32>,
      %parallel_loop3A_408 = vector.shape_cast %parallel_loop3A_407 : vector<1x16xf32> to vector<16xf32>
      %parallel_loop3A_409 = arith.maximumf %parallel_loop3A_389, %parallel_loop3A_408 : vector<16xf32>
      scf.yield %parallel_loop3A_394, %parallel_loop3A_399, %parallel_loop3A_404, %parallel_loop3A_409 : vector<16xf32>, vector<16xf32>, vector<16xf32>, vector<16xf32>
    } {sc.loop_unroll_factor = 8 : i64, sc.parallel_access}
    %add3A_170 = arith.constant 2 : i32
    %add3A_171 = arith.addi %mul3A_2, %add3A_170 : i32
    %dma_start3A_172 = arith.constant 0 : i32
    %dma_start3A_173 = arith.constant 0 : i32
    %dma_start3A_174 = tpu.memref_slice %arg2[%add3A_171, %dma_start3A_172, %dma_start3A_173] : memref<512x1024x64xf32, #tpu.memory_space<hbm>> -> memref<1x256x64xf32, #tpu.memory_space<hbm>>
    %dma_start3A_175 = tpu.memref_squeeze %dma_start3A_174 : memref<1x256x64xf32, #tpu.memory_space<hbm>> -> memref<256x64xf32, #tpu.memory_space<hbm>>
    %dma_start3A_176 = arith.constant 0 : i32
    %dma_start3A_177 = arith.constant 0 : i32
    %dma_start3A_178 = tpu.memref_slice %arg2[%add3A_171, %dma_start3A_176, %dma_start3A_177] : memref<512x1024x64xf32, #tpu.memory_space<hbm>> -> memref<1x256x64xf32, #tpu.memory_space<hbm>>
    %dma_start3A_179 = tpu.memref_squeeze %dma_start3A_178 : memref<1x256x64xf32, #tpu.memory_space<hbm>> -> memref<256x64xf32, #tpu.memory_space<hbm>>
    tpu.enqueue_dma source(%dma_start3A_179 : memref<256x64xf32, #tpu.memory_space<hbm>>) target(%arg4 : memref<256x64xf32, #tpu.memory_space<vmem>>) target_semaphore(%arg7 : memref<!tpu.dma_semaphore, #tpu.memory_space<semaphore_mem>>)
    %dma_wait3A_180 = arith.constant 768 : i32
    %dma_wait3A_181 = arith.constant 0 : i32
    %dma_wait3A_182 = tpu.memref_slice %arg2[%add3A_149, %dma_wait3A_180, %dma_wait3A_181] : memref<512x1024x64xf32, #tpu.memory_space<hbm>> -> memref<1x256x64xf32, #tpu.memory_space<hbm>>
    %dma_wait3A_183 = tpu.memref_squeeze %dma_wait3A_182 : memref<1x256x64xf32, #tpu.memory_space<hbm>> -> memref<256x64xf32, #tpu.memory_space<hbm>>
    %dma_wait3A_184 = arith.constant 768 : i32
    %dma_wait3A_185 = arith.constant 0 : i32
    %dma_wait3A_186 = tpu.memref_slice %arg2[%add3A_149, %dma_wait3A_184, %dma_wait3A_185] : memref<512x1024x64xf32, #tpu.memory_space<hbm>> -> memref<1x256x64xf32, #tpu.memory_space<hbm>>
    %dma_wait3A_187 = tpu.memref_squeeze %dma_wait3A_186 : memref<1x256x64xf32, #tpu.memory_space<hbm>> -> memref<256x64xf32, #tpu.memory_space<hbm>>
    tpu.wait_dma2 semaphore(%arg8 : memref<!tpu.dma_semaphore, #tpu.memory_space<semaphore_mem>>) src(%dma_wait3A_187 : memref<256x64xf32, #tpu.memory_space<hbm>>) dst(%arg5 : memref<256x64xf32, #tpu.memory_space<vmem>>)
    %parallel_loop3A_188 = arith.constant 0 : i32
    %parallel_loop3A_189 = arith.constant 256 : i32
    %parallel_loop3A_190 = arith.constant 1 : i32
    %parallel_loop3A_191:4 = scf.for %parallel_loop3A_385 = %parallel_loop3A_188 to %parallel_loop3A_189 step %parallel_loop3A_190 iter_args(%parallel_loop3A_386 = %parallel_loop3A_169#0, %parallel_loop3A_387 = %parallel_loop3A_169#1, %parallel_loop3A_388 = %parallel_loop3A_169#2, %parallel_loop3A_389 = %parallel_loop3A_169#3) -> (vector<16xf32>, vector<16xf32>, vector<16xf32>, vector<16xf32>)  : i32 {
      %parallel_loop3A_390 = arith.index_cast %parallel_loop3A_385 : i32 to index
      %parallel_loop3A_391 = arith.constant 0 : index
      %parallel_loop3A_392 = tpu.vector_load %arg5[%parallel_loop3A_390, %parallel_loop3A_391] {strides = array<i32>} : memref<256x64xf32, #tpu.memory_space<vmem>>, vector<1x16xf32>,
      %parallel_loop3A_393 = vector.shape_cast %parallel_loop3A_392 : vector<1x16xf32> to vector<16xf32>
      %parallel_loop3A_394 = arith.maximumf %parallel_loop3A_386, %parallel_loop3A_393 : vector<16xf32>
      %parallel_loop3A_395 = arith.index_cast %parallel_loop3A_385 : i32 to index
      %parallel_loop3A_396 = arith.constant 16 : index
      %parallel_loop3A_397 = tpu.vector_load %arg5[%parallel_loop3A_395, %parallel_loop3A_396] {strides = array<i32>} : memref<256x64xf32, #tpu.memory_space<vmem>>, vector<1x16xf32>,
      %parallel_loop3A_398 = vector.shape_cast %parallel_loop3A_397 : vector<1x16xf32> to vector<16xf32>
      %parallel_loop3A_399 = arith.maximumf %parallel_loop3A_387, %parallel_loop3A_398 : vector<16xf32>
      %parallel_loop3A_400 = arith.index_cast %parallel_loop3A_385 : i32 to index
      %parallel_loop3A_401 = arith.constant 32 : index
      %parallel_loop3A_402 = tpu.vector_load %arg5[%parallel_loop3A_400, %parallel_loop3A_401] {strides = array<i32>} : memref<256x64xf32, #tpu.memory_space<vmem>>, vector<1x16xf32>,
      %parallel_loop3A_403 = vector.shape_cast %parallel_loop3A_402 : vector<1x16xf32> to vector<16xf32>
      %parallel_loop3A_404 = arith.maximumf %parallel_loop3A_388, %parallel_loop3A_403 : vector<16xf32>
      %parallel_loop3A_405 = arith.index_cast %parallel_loop3A_385 : i32 to index
      %parallel_loop3A_406 = arith.constant 48 : index
      %parallel_loop3A_407 = tpu.vector_load %arg5[%parallel_loop3A_405, %parallel_loop3A_406] {strides = array<i32>} : memref<256x64xf32, #tpu.memory_space<vmem>>, vector<1x16xf32>,
      %parallel_loop3A_408 = vector.shape_cast %parallel_loop3A_407 : vector<1x16xf32> to vector<16xf32>
      %parallel_loop3A_409 = arith.maximumf %parallel_loop3A_389, %parallel_loop3A_408 : vector<16xf32>
      scf.yield %parallel_loop3A_394, %parallel_loop3A_399, %parallel_loop3A_404, %parallel_loop3A_409 : vector<16xf32>, vector<16xf32>, vector<16xf32>, vector<16xf32>
    } {sc.loop_unroll_factor = 8 : i64, sc.parallel_access}
    %max3A_192 = arith.maximumf %parallel_loop3A_191#0, %parallel_loop3A_191#1 : vector<16xf32>
    %max3A_193 = arith.maximumf %parallel_loop3A_191#2, %parallel_loop3A_191#3 : vector<16xf32>
    %max3A_194 = arith.maximumf %max3A_192, %max3A_193 : vector<16xf32>
    %swap3A_195 = arith.constant 1 : i32
    %swap3A_196 = arith.index_cast %swap3A_195 : i32 to index
    %swap3A_197 = arith.constant 0 : index
    %swap3A_198 = tpu.vector_load %arg6[%swap3A_196, %swap3A_197] {strides = array<i32>} : memref<4x16xf32, #tpu.memory_space<vmem>>, vector<1x16xf32>,
    %swap3A_199 = vector.shape_cast %swap3A_198 : vector<1x16xf32> to vector<16xf32>
    %swap3A_200 = vector.shape_cast %max3A_194 : vector<16xf32> to vector<1x16xf32>
    tpu.vector_store %arg6[%swap3A_196, %swap3A_197], %swap3A_200 {strides = array<i32>} : memref<4x16xf32, #tpu.memory_space<vmem>>, vector<1x16xf32>,
    %add3A_201 = arith.constant 2 : i32
    %add3A_202 = arith.addi %mul3A_2, %add3A_201 : i32
    %dma_start3A_203 = arith.constant 256 : i32
    %dma_start3A_204 = arith.constant 0 : i32
    %dma_start3A_205 = tpu.memref_slice %arg2[%add3A_202, %dma_start3A_203, %dma_start3A_204] : memref<512x1024x64xf32, #tpu.memory_space<hbm>> -> memref<1x256x64xf32, #tpu.memory_space<hbm>>
    %dma_start3A_206 = tpu.memref_squeeze %dma_start3A_205 : memref<1x256x64xf32, #tpu.memory_space<hbm>> -> memref<256x64xf32, #tpu.memory_space<hbm>>
    %dma_start3A_207 = arith.constant 256 : i32
    %dma_start3A_208 = arith.constant 0 : i32
    %dma_start3A_209 = tpu.memref_slice %arg2[%add3A_202, %dma_start3A_207, %dma_start3A_208] : memref<512x1024x64xf32, #tpu.memory_space<hbm>> -> memref<1x256x64xf32, #tpu.memory_space<hbm>>
    %dma_start3A_210 = tpu.memref_squeeze %dma_start3A_209 : memref<1x256x64xf32, #tpu.memory_space<hbm>> -> memref<256x64xf32, #tpu.memory_space<hbm>>
    tpu.enqueue_dma source(%dma_start3A_210 : memref<256x64xf32, #tpu.memory_space<hbm>>) target(%arg5 : memref<256x64xf32, #tpu.memory_space<vmem>>) target_semaphore(%arg8 : memref<!tpu.dma_semaphore, #tpu.memory_space<semaphore_mem>>)
    %dma_wait3A_211 = arith.constant 0 : i32
    %dma_wait3A_212 = arith.constant 0 : i32
    %dma_wait3A_213 = tpu.memref_slice %arg2[%add3A_171, %dma_wait3A_211, %dma_wait3A_212] : memref<512x1024x64xf32, #tpu.memory_space<hbm>> -> memref<1x256x64xf32, #tpu.memory_space<hbm>>
    %dma_wait3A_214 = tpu.memref_squeeze %dma_wait3A_213 : memref<1x256x64xf32, #tpu.memory_space<hbm>> -> memref<256x64xf32, #tpu.memory_space<hbm>>
    %dma_wait3A_215 = arith.constant 0 : i32
    %dma_wait3A_216 = arith.constant 0 : i32
    %dma_wait3A_217 = tpu.memref_slice %arg2[%add3A_171, %dma_wait3A_215, %dma_wait3A_216] : memref<512x1024x64xf32, #tpu.memory_space<hbm>> -> memref<1x256x64xf32, #tpu.memory_space<hbm>>
    %dma_wait3A_218 = tpu.memref_squeeze %dma_wait3A_217 : memref<1x256x64xf32, #tpu.memory_space<hbm>> -> memref<256x64xf32, #tpu.memory_space<hbm>>
    tpu.wait_dma2 semaphore(%arg7 : memref<!tpu.dma_semaphore, #tpu.memory_space<semaphore_mem>>) src(%dma_wait3A_218 : memref<256x64xf32, #tpu.memory_space<hbm>>) dst(%arg4 : memref<256x64xf32, #tpu.memory_space<vmem>>)
    %parallel_loop3A_219 = arith.constant 0 : i32
    %parallel_loop3A_220 = arith.constant 256 : i32
    %parallel_loop3A_221 = arith.constant 1 : i32
    %parallel_loop3A_222:4 = scf.for %parallel_loop3A_385 = %parallel_loop3A_219 to %parallel_loop3A_220 step %parallel_loop3A_221 iter_args(%parallel_loop3A_386 = %broadcast_in_dim3A_10, %parallel_loop3A_387 = %broadcast_in_dim3A_10, %parallel_loop3A_388 = %broadcast_in_dim3A_10, %parallel_loop3A_389 = %broadcast_in_dim3A_10) -> (vector<16xf32>, vector<16xf32>, vector<16xf32>, vector<16xf32>)  : i32 {
      %parallel_loop3A_390 = arith.index_cast %parallel_loop3A_385 : i32 to index
      %parallel_loop3A_391 = arith.constant 0 : index
      %parallel_loop3A_392 = tpu.vector_load %arg4[%parallel_loop3A_390, %parallel_loop3A_391] {strides = array<i32>} : memref<256x64xf32, #tpu.memory_space<vmem>>, vector<1x16xf32>,
      %parallel_loop3A_393 = vector.shape_cast %parallel_loop3A_392 : vector<1x16xf32> to vector<16xf32>
      %parallel_loop3A_394 = arith.maximumf %parallel_loop3A_386, %parallel_loop3A_393 : vector<16xf32>
      %parallel_loop3A_395 = arith.index_cast %parallel_loop3A_385 : i32 to index
      %parallel_loop3A_396 = arith.constant 16 : index
      %parallel_loop3A_397 = tpu.vector_load %arg4[%parallel_loop3A_395, %parallel_loop3A_396] {strides = array<i32>} : memref<256x64xf32, #tpu.memory_space<vmem>>, vector<1x16xf32>,
      %parallel_loop3A_398 = vector.shape_cast %parallel_loop3A_397 : vector<1x16xf32> to vector<16xf32>
      %parallel_loop3A_399 = arith.maximumf %parallel_loop3A_387, %parallel_loop3A_398 : vector<16xf32>
      %parallel_loop3A_400 = arith.index_cast %parallel_loop3A_385 : i32 to index
      %parallel_loop3A_401 = arith.constant 32 : index
      %parallel_loop3A_402 = tpu.vector_load %arg4[%parallel_loop3A_400, %parallel_loop3A_401] {strides = array<i32>} : memref<256x64xf32, #tpu.memory_space<vmem>>, vector<1x16xf32>,
      %parallel_loop3A_403 = vector.shape_cast %parallel_loop3A_402 : vector<1x16xf32> to vector<16xf32>
      %parallel_loop3A_404 = arith.maximumf %parallel_loop3A_388, %parallel_loop3A_403 : vector<16xf32>
      %parallel_loop3A_405 = arith.index_cast %parallel_loop3A_385 : i32 to index
      %parallel_loop3A_406 = arith.constant 48 : index
      %parallel_loop3A_407 = tpu.vector_load %arg4[%parallel_loop3A_405, %parallel_loop3A_406] {strides = array<i32>} : memref<256x64xf32, #tpu.memory_space<vmem>>, vector<1x16xf32>,
      %parallel_loop3A_408 = vector.shape_cast %parallel_loop3A_407 : vector<1x16xf32> to vector<16xf32>
      %parallel_loop3A_409 = arith.maximumf %parallel_loop3A_389, %parallel_loop3A_408 : vector<16xf32>
      scf.yield %parallel_loop3A_394, %parallel_loop3A_399, %parallel_loop3A_404, %parallel_loop3A_409 : vector<16xf32>, vector<16xf32>, vector<16xf32>, vector<16xf32>
    } {sc.loop_unroll_factor = 8 : i64, sc.parallel_access}
    %add3A_223 = arith.constant 2 : i32
    %add3A_224 = arith.addi %mul3A_2, %add3A_223 : i32
    %dma_start3A_225 = arith.constant 512 : i32
    %dma_start3A_226 = arith.constant 0 : i32
    %dma_start3A_227 = tpu.memref_slice %arg2[%add3A_224, %dma_start3A_225, %dma_start3A_226] : memref<512x1024x64xf32, #tpu.memory_space<hbm>> -> memref<1x256x64xf32, #tpu.memory_space<hbm>>
    %dma_start3A_228 = tpu.memref_squeeze %dma_start3A_227 : memref<1x256x64xf32, #tpu.memory_space<hbm>> -> memref<256x64xf32, #tpu.memory_space<hbm>>
    %dma_start3A_229 = arith.constant 512 : i32
    %dma_start3A_230 = arith.constant 0 : i32
    %dma_start3A_231 = tpu.memref_slice %arg2[%add3A_224, %dma_start3A_229, %dma_start3A_230] : memref<512x1024x64xf32, #tpu.memory_space<hbm>> -> memref<1x256x64xf32, #tpu.memory_space<hbm>>
    %dma_start3A_232 = tpu.memref_squeeze %dma_start3A_231 : memref<1x256x64xf32, #tpu.memory_space<hbm>> -> memref<256x64xf32, #tpu.memory_space<hbm>>
    tpu.enqueue_dma source(%dma_start3A_232 : memref<256x64xf32, #tpu.memory_space<hbm>>) target(%arg4 : memref<256x64xf32, #tpu.memory_space<vmem>>) target_semaphore(%arg7 : memref<!tpu.dma_semaphore, #tpu.memory_space<semaphore_mem>>)
    %dma_wait3A_233 = arith.constant 256 : i32
    %dma_wait3A_234 = arith.constant 0 : i32
    %dma_wait3A_235 = tpu.memref_slice %arg2[%add3A_202, %dma_wait3A_233, %dma_wait3A_234] : memref<512x1024x64xf32, #tpu.memory_space<hbm>> -> memref<1x256x64xf32, #tpu.memory_space<hbm>>
    %dma_wait3A_236 = tpu.memref_squeeze %dma_wait3A_235 : memref<1x256x64xf32, #tpu.memory_space<hbm>> -> memref<256x64xf32, #tpu.memory_space<hbm>>
    %dma_wait3A_237 = arith.constant 256 : i32
    %dma_wait3A_238 = arith.constant 0 : i32
    %dma_wait3A_239 = tpu.memref_slice %arg2[%add3A_202, %dma_wait3A_237, %dma_wait3A_238] : memref<512x1024x64xf32, #tpu.memory_space<hbm>> -> memref<1x256x64xf32, #tpu.memory_space<hbm>>
    %dma_wait3A_240 = tpu.memref_squeeze %dma_wait3A_239 : memref<1x256x64xf32, #tpu.memory_space<hbm>> -> memref<256x64xf32, #tpu.memory_space<hbm>>
    tpu.wait_dma2 semaphore(%arg8 : memref<!tpu.dma_semaphore, #tpu.memory_space<semaphore_mem>>) src(%dma_wait3A_240 : memref<256x64xf32, #tpu.memory_space<hbm>>) dst(%arg5 : memref<256x64xf32, #tpu.memory_space<vmem>>)
    %parallel_loop3A_241 = arith.constant 0 : i32
    %parallel_loop3A_242 = arith.constant 256 : i32
    %parallel_loop3A_243 = arith.constant 1 : i32
    %parallel_loop3A_244:4 = scf.for %parallel_loop3A_385 = %parallel_loop3A_241 to %parallel_loop3A_242 step %parallel_loop3A_243 iter_args(%parallel_loop3A_386 = %parallel_loop3A_222#0, %parallel_loop3A_387 = %parallel_loop3A_222#1, %parallel_loop3A_388 = %parallel_loop3A_222#2, %parallel_loop3A_389 = %parallel_loop3A_222#3) -> (vector<16xf32>, vector<16xf32>, vector<16xf32>, vector<16xf32>)  : i32 {
      %parallel_loop3A_390 = arith.index_cast %parallel_loop3A_385 : i32 to index
      %parallel_loop3A_391 = arith.constant 0 : index
      %parallel_loop3A_392 = tpu.vector_load %arg5[%parallel_loop3A_390, %parallel_loop3A_391] {strides = array<i32>} : memref<256x64xf32, #tpu.memory_space<vmem>>, vector<1x16xf32>,
      %parallel_loop3A_393 = vector.shape_cast %parallel_loop3A_392 : vector<1x16xf32> to vector<16xf32>
      %parallel_loop3A_394 = arith.maximumf %parallel_loop3A_386, %parallel_loop3A_393 : vector<16xf32>
      %parallel_loop3A_395 = arith.index_cast %parallel_loop3A_385 : i32 to index
      %parallel_loop3A_396 = arith.constant 16 : index
      %parallel_loop3A_397 = tpu.vector_load %arg5[%parallel_loop3A_395, %parallel_loop3A_396] {strides = array<i32>} : memref<256x64xf32, #tpu.memory_space<vmem>>, vector<1x16xf32>,
      %parallel_loop3A_398 = vector.shape_cast %parallel_loop3A_397 : vector<1x16xf32> to vector<16xf32>
      %parallel_loop3A_399 = arith.maximumf %parallel_loop3A_387, %parallel_loop3A_398 : vector<16xf32>
      %parallel_loop3A_400 = arith.index_cast %parallel_loop3A_385 : i32 to index
      %parallel_loop3A_401 = arith.constant 32 : index
      %parallel_loop3A_402 = tpu.vector_load %arg5[%parallel_loop3A_400, %parallel_loop3A_401] {strides = array<i32>} : memref<256x64xf32, #tpu.memory_space<vmem>>, vector<1x16xf32>,
      %parallel_loop3A_403 = vector.shape_cast %parallel_loop3A_402 : vector<1x16xf32> to vector<16xf32>
      %parallel_loop3A_404 = arith.maximumf %parallel_loop3A_388, %parallel_loop3A_403 : vector<16xf32>
      %parallel_loop3A_405 = arith.index_cast %parallel_loop3A_385 : i32 to index
      %parallel_loop3A_406 = arith.constant 48 : index
      %parallel_loop3A_407 = tpu.vector_load %arg5[%parallel_loop3A_405, %parallel_loop3A_406] {strides = array<i32>} : memref<256x64xf32, #tpu.memory_space<vmem>>, vector<1x16xf32>,
      %parallel_loop3A_408 = vector.shape_cast %parallel_loop3A_407 : vector<1x16xf32> to vector<16xf32>
      %parallel_loop3A_409 = arith.maximumf %parallel_loop3A_389, %parallel_loop3A_408 : vector<16xf32>
      scf.yield %parallel_loop3A_394, %parallel_loop3A_399, %parallel_loop3A_404, %parallel_loop3A_409 : vector<16xf32>, vector<16xf32>, vector<16xf32>, vector<16xf32>
    } {sc.loop_unroll_factor = 8 : i64, sc.parallel_access}
    %add3A_245 = arith.constant 2 : i32
    %add3A_246 = arith.addi %mul3A_2, %add3A_245 : i32
    %dma_start3A_247 = arith.constant 768 : i32
    %dma_start3A_248 = arith.constant 0 : i32
    %dma_start3A_249 = tpu.memref_slice %arg2[%add3A_246, %dma_start3A_247, %dma_start3A_248] : memref<512x1024x64xf32, #tpu.memory_space<hbm>> -> memref<1x256x64xf32, #tpu.memory_space<hbm>>
    %dma_start3A_250 = tpu.memref_squeeze %dma_start3A_249 : memref<1x256x64xf32, #tpu.memory_space<hbm>> -> memref<256x64xf32, #tpu.memory_space<hbm>>
    %dma_start3A_251 = arith.constant 768 : i32
    %dma_start3A_252 = arith.constant 0 : i32
    %dma_start3A_253 = tpu.memref_slice %arg2[%add3A_246, %dma_start3A_251, %dma_start3A_252] : memref<512x1024x64xf32, #tpu.memory_space<hbm>> -> memref<1x256x64xf32, #tpu.memory_space<hbm>>
    %dma_start3A_254 = tpu.memref_squeeze %dma_start3A_253 : memref<1x256x64xf32, #tpu.memory_space<hbm>> -> memref<256x64xf32, #tpu.memory_space<hbm>>
    tpu.enqueue_dma source(%dma_start3A_254 : memref<256x64xf32, #tpu.memory_space<hbm>>) target(%arg5 : memref<256x64xf32, #tpu.memory_space<vmem>>) target_semaphore(%arg8 : memref<!tpu.dma_semaphore, #tpu.memory_space<semaphore_mem>>)
    %dma_wait3A_255 = arith.constant 512 : i32
    %dma_wait3A_256 = arith.constant 0 : i32
    %dma_wait3A_257 = tpu.memref_slice %arg2[%add3A_224, %dma_wait3A_255, %dma_wait3A_256] : memref<512x1024x64xf32, #tpu.memory_space<hbm>> -> memref<1x256x64xf32, #tpu.memory_space<hbm>>
    %dma_wait3A_258 = tpu.memref_squeeze %dma_wait3A_257 : memref<1x256x64xf32, #tpu.memory_space<hbm>> -> memref<256x64xf32, #tpu.memory_space<hbm>>
    %dma_wait3A_259 = arith.constant 512 : i32
    %dma_wait3A_260 = arith.constant 0 : i32
    %dma_wait3A_261 = tpu.memref_slice %arg2[%add3A_224, %dma_wait3A_259, %dma_wait3A_260] : memref<512x1024x64xf32, #tpu.memory_space<hbm>> -> memref<1x256x64xf32, #tpu.memory_space<hbm>>
    %dma_wait3A_262 = tpu.memref_squeeze %dma_wait3A_261 : memref<1x256x64xf32, #tpu.memory_space<hbm>> -> memref<256x64xf32, #tpu.memory_space<hbm>>
    tpu.wait_dma2 semaphore(%arg7 : memref<!tpu.dma_semaphore, #tpu.memory_space<semaphore_mem>>) src(%dma_wait3A_262 : memref<256x64xf32, #tpu.memory_space<hbm>>) dst(%arg4 : memref<256x64xf32, #tpu.memory_space<vmem>>)
    %parallel_loop3A_263 = arith.constant 0 : i32
    %parallel_loop3A_264 = arith.constant 256 : i32
    %parallel_loop3A_265 = arith.constant 1 : i32
    %parallel_loop3A_266:4 = scf.for %parallel_loop3A_385 = %parallel_loop3A_263 to %parallel_loop3A_264 step %parallel_loop3A_265 iter_args(%parallel_loop3A_386 = %parallel_loop3A_244#0, %parallel_loop3A_387 = %parallel_loop3A_244#1, %parallel_loop3A_388 = %parallel_loop3A_244#2, %parallel_loop3A_389 = %parallel_loop3A_244#3) -> (vector<16xf32>, vector<16xf32>, vector<16xf32>, vector<16xf32>)  : i32 {
      %parallel_loop3A_390 = arith.index_cast %parallel_loop3A_385 : i32 to index
      %parallel_loop3A_391 = arith.constant 0 : index
      %parallel_loop3A_392 = tpu.vector_load %arg4[%parallel_loop3A_390, %parallel_loop3A_391] {strides = array<i32>} : memref<256x64xf32, #tpu.memory_space<vmem>>, vector<1x16xf32>,
      %parallel_loop3A_393 = vector.shape_cast %parallel_loop3A_392 : vector<1x16xf32> to vector<16xf32>
      %parallel_loop3A_394 = arith.maximumf %parallel_loop3A_386, %parallel_loop3A_393 : vector<16xf32>
      %parallel_loop3A_395 = arith.index_cast %parallel_loop3A_385 : i32 to index
      %parallel_loop3A_396 = arith.constant 16 : index
      %parallel_loop3A_397 = tpu.vector_load %arg4[%parallel_loop3A_395, %parallel_loop3A_396] {strides = array<i32>} : memref<256x64xf32, #tpu.memory_space<vmem>>, vector<1x16xf32>,
      %parallel_loop3A_398 = vector.shape_cast %parallel_loop3A_397 : vector<1x16xf32> to vector<16xf32>
      %parallel_loop3A_399 = arith.maximumf %parallel_loop3A_387, %parallel_loop3A_398 : vector<16xf32>
      %parallel_loop3A_400 = arith.index_cast %parallel_loop3A_385 : i32 to index
      %parallel_loop3A_401 = arith.constant 32 : index
      %parallel_loop3A_402 = tpu.vector_load %arg4[%parallel_loop3A_400, %parallel_loop3A_401] {strides = array<i32>} : memref<256x64xf32, #tpu.memory_space<vmem>>, vector<1x16xf32>,
      %parallel_loop3A_403 = vector.shape_cast %parallel_loop3A_402 : vector<1x16xf32> to vector<16xf32>
      %parallel_loop3A_404 = arith.maximumf %parallel_loop3A_388, %parallel_loop3A_403 : vector<16xf32>
      %parallel_loop3A_405 = arith.index_cast %parallel_loop3A_385 : i32 to index
      %parallel_loop3A_406 = arith.constant 48 : index
      %parallel_loop3A_407 = tpu.vector_load %arg4[%parallel_loop3A_405, %parallel_loop3A_406] {strides = array<i32>} : memref<256x64xf32, #tpu.memory_space<vmem>>, vector<1x16xf32>,
      %parallel_loop3A_408 = vector.shape_cast %parallel_loop3A_407 : vector<1x16xf32> to vector<16xf32>
      %parallel_loop3A_409 = arith.maximumf %parallel_loop3A_389, %parallel_loop3A_408 : vector<16xf32>
      scf.yield %parallel_loop3A_394, %parallel_loop3A_399, %parallel_loop3A_404, %parallel_loop3A_409 : vector<16xf32>, vector<16xf32>, vector<16xf32>, vector<16xf32>
    } {sc.loop_unroll_factor = 8 : i64, sc.parallel_access}
    %add3A_267 = arith.constant 3 : i32
    %add3A_268 = arith.addi %mul3A_2, %add3A_267 : i32
    %dma_start3A_269 = arith.constant 0 : i32
    %dma_start3A_270 = arith.constant 0 : i32
    %dma_start3A_271 = tpu.memref_slice %arg2[%add3A_268, %dma_start3A_269, %dma_start3A_270] : memref<512x1024x64xf32, #tpu.memory_space<hbm>> -> memref<1x256x64xf32, #tpu.memory_space<hbm>>
    %dma_start3A_272 = tpu.memref_squeeze %dma_start3A_271 : memref<1x256x64xf32, #tpu.memory_space<hbm>> -> memref<256x64xf32, #tpu.memory_space<hbm>>
    %dma_start3A_273 = arith.constant 0 : i32
    %dma_start3A_274 = arith.constant 0 : i32
    %dma_start3A_275 = tpu.memref_slice %arg2[%add3A_268, %dma_start3A_273, %dma_start3A_274] : memref<512x1024x64xf32, #tpu.memory_space<hbm>> -> memref<1x256x64xf32, #tpu.memory_space<hbm>>
    %dma_start3A_276 = tpu.memref_squeeze %dma_start3A_275 : memref<1x256x64xf32, #tpu.memory_space<hbm>> -> memref<256x64xf32, #tpu.memory_space<hbm>>
    tpu.enqueue_dma source(%dma_start3A_276 : memref<256x64xf32, #tpu.memory_space<hbm>>) target(%arg4 : memref<256x64xf32, #tpu.memory_space<vmem>>) target_semaphore(%arg7 : memref<!tpu.dma_semaphore, #tpu.memory_space<semaphore_mem>>)
    %dma_wait3A_277 = arith.constant 768 : i32
    %dma_wait3A_278 = arith.constant 0 : i32
    %dma_wait3A_279 = tpu.memref_slice %arg2[%add3A_246, %dma_wait3A_277, %dma_wait3A_278] : memref<512x1024x64xf32, #tpu.memory_space<hbm>> -> memref<1x256x64xf32, #tpu.memory_space<hbm>>
    %dma_wait3A_280 = tpu.memref_squeeze %dma_wait3A_279 : memref<1x256x64xf32, #tpu.memory_space<hbm>> -> memref<256x64xf32, #tpu.memory_space<hbm>>
    %dma_wait3A_281 = arith.constant 768 : i32
    %dma_wait3A_282 = arith.constant 0 : i32
    %dma_wait3A_283 = tpu.memref_slice %arg2[%add3A_246, %dma_wait3A_281, %dma_wait3A_282] : memref<512x1024x64xf32, #tpu.memory_space<hbm>> -> memref<1x256x64xf32, #tpu.memory_space<hbm>>
    %dma_wait3A_284 = tpu.memref_squeeze %dma_wait3A_283 : memref<1x256x64xf32, #tpu.memory_space<hbm>> -> memref<256x64xf32, #tpu.memory_space<hbm>>
    tpu.wait_dma2 semaphore(%arg8 : memref<!tpu.dma_semaphore, #tpu.memory_space<semaphore_mem>>) src(%dma_wait3A_284 : memref<256x64xf32, #tpu.memory_space<hbm>>) dst(%arg5 : memref<256x64xf32, #tpu.memory_space<vmem>>)
    %parallel_loop3A_285 = arith.constant 0 : i32
    %parallel_loop3A_286 = arith.constant 256 : i32
    %parallel_loop3A_287 = arith.constant 1 : i32
    %parallel_loop3A_288:4 = scf.for %parallel_loop3A_385 = %parallel_loop3A_285 to %parallel_loop3A_286 step %parallel_loop3A_287 iter_args(%parallel_loop3A_386 = %parallel_loop3A_266#0, %parallel_loop3A_387 = %parallel_loop3A_266#1, %parallel_loop3A_388 = %parallel_loop3A_266#2, %parallel_loop3A_389 = %parallel_loop3A_266#3) -> (vector<16xf32>, vector<16xf32>, vector<16xf32>, vector<16xf32>)  : i32 {
      %parallel_loop3A_390 = arith.index_cast %parallel_loop3A_385 : i32 to index
      %parallel_loop3A_391 = arith.constant 0 : index
      %parallel_loop3A_392 = tpu.vector_load %arg5[%parallel_loop3A_390, %parallel_loop3A_391] {strides = array<i32>} : memref<256x64xf32, #tpu.memory_space<vmem>>, vector<1x16xf32>,
      %parallel_loop3A_393 = vector.shape_cast %parallel_loop3A_392 : vector<1x16xf32> to vector<16xf32>
      %parallel_loop3A_394 = arith.maximumf %parallel_loop3A_386, %parallel_loop3A_393 : vector<16xf32>
      %parallel_loop3A_395 = arith.index_cast %parallel_loop3A_385 : i32 to index
      %parallel_loop3A_396 = arith.constant 16 : index
      %parallel_loop3A_397 = tpu.vector_load %arg5[%parallel_loop3A_395, %parallel_loop3A_396] {strides = array<i32>} : memref<256x64xf32, #tpu.memory_space<vmem>>, vector<1x16xf32>,
      %parallel_loop3A_398 = vector.shape_cast %parallel_loop3A_397 : vector<1x16xf32> to vector<16xf32>
      %parallel_loop3A_399 = arith.maximumf %parallel_loop3A_387, %parallel_loop3A_398 : vector<16xf32>
      %parallel_loop3A_400 = arith.index_cast %parallel_loop3A_385 : i32 to index
      %parallel_loop3A_401 = arith.constant 32 : index
      %parallel_loop3A_402 = tpu.vector_load %arg5[%parallel_loop3A_400, %parallel_loop3A_401] {strides = array<i32>} : memref<256x64xf32, #tpu.memory_space<vmem>>, vector<1x16xf32>,
      %parallel_loop3A_403 = vector.shape_cast %parallel_loop3A_402 : vector<1x16xf32> to vector<16xf32>
      %parallel_loop3A_404 = arith.maximumf %parallel_loop3A_388, %parallel_loop3A_403 : vector<16xf32>
      %parallel_loop3A_405 = arith.index_cast %parallel_loop3A_385 : i32 to index
      %parallel_loop3A_406 = arith.constant 48 : index
      %parallel_loop3A_407 = tpu.vector_load %arg5[%parallel_loop3A_405, %parallel_loop3A_406] {strides = array<i32>} : memref<256x64xf32, #tpu.memory_space<vmem>>, vector<1x16xf32>,
      %parallel_loop3A_408 = vector.shape_cast %parallel_loop3A_407 : vector<1x16xf32> to vector<16xf32>
      %parallel_loop3A_409 = arith.maximumf %parallel_loop3A_389, %parallel_loop3A_408 : vector<16xf32>
      scf.yield %parallel_loop3A_394, %parallel_loop3A_399, %parallel_loop3A_404, %parallel_loop3A_409 : vector<16xf32>, vector<16xf32>, vector<16xf32>, vector<16xf32>
    } {sc.loop_unroll_factor = 8 : i64, sc.parallel_access}
    %max3A_289 = arith.maximumf %parallel_loop3A_288#0, %parallel_loop3A_288#1 : vector<16xf32>
    %max3A_290 = arith.maximumf %parallel_loop3A_288#2, %parallel_loop3A_288#3 : vector<16xf32>
    %max3A_291 = arith.maximumf %max3A_289, %max3A_290 : vector<16xf32>
    %swap3A_292 = arith.constant 2 : i32
    %swap3A_293 = arith.index_cast %swap3A_292 : i32 to index
    %swap3A_294 = arith.constant 0 : index
    %swap3A_295 = tpu.vector_load %arg6[%swap3A_293, %swap3A_294] {strides = array<i32>} : memref<4x16xf32, #tpu.memory_space<vmem>>, vector<1x16xf32>,
    %swap3A_296 = vector.shape_cast %swap3A_295 : vector<1x16xf32> to vector<16xf32>
    %swap3A_297 = vector.shape_cast %max3A_291 : vector<16xf32> to vector<1x16xf32>
    tpu.vector_store %arg6[%swap3A_293, %swap3A_294], %swap3A_297 {strides = array<i32>} : memref<4x16xf32, #tpu.memory_space<vmem>>, vector<1x16xf32>,
    %add3A_298 = arith.constant 3 : i32
    %add3A_299 = arith.addi %mul3A_2, %add3A_298 : i32
    %dma_start3A_300 = arith.constant 256 : i32
    %dma_start3A_301 = arith.constant 0 : i32
    %dma_start3A_302 = tpu.memref_slice %arg2[%add3A_299, %dma_start3A_300, %dma_start3A_301] : memref<512x1024x64xf32, #tpu.memory_space<hbm>> -> memref<1x256x64xf32, #tpu.memory_space<hbm>>
    %dma_start3A_303 = tpu.memref_squeeze %dma_start3A_302 : memref<1x256x64xf32, #tpu.memory_space<hbm>> -> memref<256x64xf32, #tpu.memory_space<hbm>>
    %dma_start3A_304 = arith.constant 256 : i32
    %dma_start3A_305 = arith.constant 0 : i32
    %dma_start3A_306 = tpu.memref_slice %arg2[%add3A_299, %dma_start3A_304, %dma_start3A_305] : memref<512x1024x64xf32, #tpu.memory_space<hbm>> -> memref<1x256x64xf32, #tpu.memory_space<hbm>>
    %dma_start3A_307 = tpu.memref_squeeze %dma_start3A_306 : memref<1x256x64xf32, #tpu.memory_space<hbm>> -> memref<256x64xf32, #tpu.memory_space<hbm>>
    tpu.enqueue_dma source(%dma_start3A_307 : memref<256x64xf32, #tpu.memory_space<hbm>>) target(%arg5 : memref<256x64xf32, #tpu.memory_space<vmem>>) target_semaphore(%arg8 : memref<!tpu.dma_semaphore, #tpu.memory_space<semaphore_mem>>)
    %dma_wait3A_308 = arith.constant 0 : i32
    %dma_wait3A_309 = arith.constant 0 : i32
    %dma_wait3A_310 = tpu.memref_slice %arg2[%add3A_268, %dma_wait3A_308, %dma_wait3A_309] : memref<512x1024x64xf32, #tpu.memory_space<hbm>> -> memref<1x256x64xf32, #tpu.memory_space<hbm>>
    %dma_wait3A_311 = tpu.memref_squeeze %dma_wait3A_310 : memref<1x256x64xf32, #tpu.memory_space<hbm>> -> memref<256x64xf32, #tpu.memory_space<hbm>>
    %dma_wait3A_312 = arith.constant 0 : i32
    %dma_wait3A_313 = arith.constant 0 : i32
    %dma_wait3A_314 = tpu.memref_slice %arg2[%add3A_268, %dma_wait3A_312, %dma_wait3A_313] : memref<512x1024x64xf32, #tpu.memory_space<hbm>> -> memref<1x256x64xf32, #tpu.memory_space<hbm>>
    %dma_wait3A_315 = tpu.memref_squeeze %dma_wait3A_314 : memref<1x256x64xf32, #tpu.memory_space<hbm>> -> memref<256x64xf32, #tpu.memory_space<hbm>>
    tpu.wait_dma2 semaphore(%arg7 : memref<!tpu.dma_semaphore, #tpu.memory_space<semaphore_mem>>) src(%dma_wait3A_315 : memref<256x64xf32, #tpu.memory_space<hbm>>) dst(%arg4 : memref<256x64xf32, #tpu.memory_space<vmem>>)
    %parallel_loop3A_316 = arith.constant 0 : i32
    %parallel_loop3A_317 = arith.constant 256 : i32
    %parallel_loop3A_318 = arith.constant 1 : i32
    %parallel_loop3A_319:4 = scf.for %parallel_loop3A_385 = %parallel_loop3A_316 to %parallel_loop3A_317 step %parallel_loop3A_318 iter_args(%parallel_loop3A_386 = %broadcast_in_dim3A_10, %parallel_loop3A_387 = %broadcast_in_dim3A_10, %parallel_loop3A_388 = %broadcast_in_dim3A_10, %parallel_loop3A_389 = %broadcast_in_dim3A_10) -> (vector<16xf32>, vector<16xf32>, vector<16xf32>, vector<16xf32>)  : i32 {
      %parallel_loop3A_390 = arith.index_cast %parallel_loop3A_385 : i32 to index
      %parallel_loop3A_391 = arith.constant 0 : index
      %parallel_loop3A_392 = tpu.vector_load %arg4[%parallel_loop3A_390, %parallel_loop3A_391] {strides = array<i32>} : memref<256x64xf32, #tpu.memory_space<vmem>>, vector<1x16xf32>,
      %parallel_loop3A_393 = vector.shape_cast %parallel_loop3A_392 : vector<1x16xf32> to vector<16xf32>
      %parallel_loop3A_394 = arith.maximumf %parallel_loop3A_386, %parallel_loop3A_393 : vector<16xf32>
      %parallel_loop3A_395 = arith.index_cast %parallel_loop3A_385 : i32 to index
      %parallel_loop3A_396 = arith.constant 16 : index
      %parallel_loop3A_397 = tpu.vector_load %arg4[%parallel_loop3A_395, %parallel_loop3A_396] {strides = array<i32>} : memref<256x64xf32, #tpu.memory_space<vmem>>, vector<1x16xf32>,
      %parallel_loop3A_398 = vector.shape_cast %parallel_loop3A_397 : vector<1x16xf32> to vector<16xf32>
      %parallel_loop3A_399 = arith.maximumf %parallel_loop3A_387, %parallel_loop3A_398 : vector<16xf32>
      %parallel_loop3A_400 = arith.index_cast %parallel_loop3A_385 : i32 to index
      %parallel_loop3A_401 = arith.constant 32 : index
      %parallel_loop3A_402 = tpu.vector_load %arg4[%parallel_loop3A_400, %parallel_loop3A_401] {strides = array<i32>} : memref<256x64xf32, #tpu.memory_space<vmem>>, vector<1x16xf32>,
      %parallel_loop3A_403 = vector.shape_cast %parallel_loop3A_402 : vector<1x16xf32> to vector<16xf32>
      %parallel_loop3A_404 = arith.maximumf %parallel_loop3A_388, %parallel_loop3A_403 : vector<16xf32>
      %parallel_loop3A_405 = arith.index_cast %parallel_loop3A_385 : i32 to index
      %parallel_loop3A_406 = arith.constant 48 : index
      %parallel_loop3A_407 = tpu.vector_load %arg4[%parallel_loop3A_405, %parallel_loop3A_406] {strides = array<i32>} : memref<256x64xf32, #tpu.memory_space<vmem>>, vector<1x16xf32>,
      %parallel_loop3A_408 = vector.shape_cast %parallel_loop3A_407 : vector<1x16xf32> to vector<16xf32>
      %parallel_loop3A_409 = arith.maximumf %parallel_loop3A_389, %parallel_loop3A_408 : vector<16xf32>
      scf.yield %parallel_loop3A_394, %parallel_loop3A_399, %parallel_loop3A_404, %parallel_loop3A_409 : vector<16xf32>, vector<16xf32>, vector<16xf32>, vector<16xf32>
    } {sc.loop_unroll_factor = 8 : i64, sc.parallel_access}
    %add3A_320 = arith.constant 3 : i32
    %add3A_321 = arith.addi %mul3A_2, %add3A_320 : i32
    %dma_start3A_322 = arith.constant 512 : i32
    %dma_start3A_323 = arith.constant 0 : i32
    %dma_start3A_324 = tpu.memref_slice %arg2[%add3A_321, %dma_start3A_322, %dma_start3A_323] : memref<512x1024x64xf32, #tpu.memory_space<hbm>> -> memref<1x256x64xf32, #tpu.memory_space<hbm>>
    %dma_start3A_325 = tpu.memref_squeeze %dma_start3A_324 : memref<1x256x64xf32, #tpu.memory_space<hbm>> -> memref<256x64xf32, #tpu.memory_space<hbm>>
    %dma_start3A_326 = arith.constant 512 : i32
    %dma_start3A_327 = arith.constant 0 : i32
    %dma_start3A_328 = tpu.memref_slice %arg2[%add3A_321, %dma_start3A_326, %dma_start3A_327] : memref<512x1024x64xf32, #tpu.memory_space<hbm>> -> memref<1x256x64xf32, #tpu.memory_space<hbm>>
    %dma_start3A_329 = tpu.memref_squeeze %dma_start3A_328 : memref<1x256x64xf32, #tpu.memory_space<hbm>> -> memref<256x64xf32, #tpu.memory_space<hbm>>
    tpu.enqueue_dma source(%dma_start3A_329 : memref<256x64xf32, #tpu.memory_space<hbm>>) target(%arg4 : memref<256x64xf32, #tpu.memory_space<vmem>>) target_semaphore(%arg7 : memref<!tpu.dma_semaphore, #tpu.memory_space<semaphore_mem>>)
    %dma_wait3A_330 = arith.constant 256 : i32
    %dma_wait3A_331 = arith.constant 0 : i32
    %dma_wait3A_332 = tpu.memref_slice %arg2[%add3A_299, %dma_wait3A_330, %dma_wait3A_331] : memref<512x1024x64xf32, #tpu.memory_space<hbm>> -> memref<1x256x64xf32, #tpu.memory_space<hbm>>
    %dma_wait3A_333 = tpu.memref_squeeze %dma_wait3A_332 : memref<1x256x64xf32, #tpu.memory_space<hbm>> -> memref<256x64xf32, #tpu.memory_space<hbm>>
    %dma_wait3A_334 = arith.constant 256 : i32
    %dma_wait3A_335 = arith.constant 0 : i32
    %dma_wait3A_336 = tpu.memref_slice %arg2[%add3A_299, %dma_wait3A_334, %dma_wait3A_335] : memref<512x1024x64xf32, #tpu.memory_space<hbm>> -> memref<1x256x64xf32, #tpu.memory_space<hbm>>
    %dma_wait3A_337 = tpu.memref_squeeze %dma_wait3A_336 : memref<1x256x64xf32, #tpu.memory_space<hbm>> -> memref<256x64xf32, #tpu.memory_space<hbm>>
    tpu.wait_dma2 semaphore(%arg8 : memref<!tpu.dma_semaphore, #tpu.memory_space<semaphore_mem>>) src(%dma_wait3A_337 : memref<256x64xf32, #tpu.memory_space<hbm>>) dst(%arg5 : memref<256x64xf32, #tpu.memory_space<vmem>>)
    %parallel_loop3A_338 = arith.constant 0 : i32
    %parallel_loop3A_339 = arith.constant 256 : i32
    %parallel_loop3A_340 = arith.constant 1 : i32
    %parallel_loop3A_341:4 = scf.for %parallel_loop3A_385 = %parallel_loop3A_338 to %parallel_loop3A_339 step %parallel_loop3A_340 iter_args(%parallel_loop3A_386 = %parallel_loop3A_319#0, %parallel_loop3A_387 = %parallel_loop3A_319#1, %parallel_loop3A_388 = %parallel_loop3A_319#2, %parallel_loop3A_389 = %parallel_loop3A_319#3) -> (vector<16xf32>, vector<16xf32>, vector<16xf32>, vector<16xf32>)  : i32 {
      %parallel_loop3A_390 = arith.index_cast %parallel_loop3A_385 : i32 to index
      %parallel_loop3A_391 = arith.constant 0 : index
      %parallel_loop3A_392 = tpu.vector_load %arg5[%parallel_loop3A_390, %parallel_loop3A_391] {strides = array<i32>} : memref<256x64xf32, #tpu.memory_space<vmem>>, vector<1x16xf32>,
      %parallel_loop3A_393 = vector.shape_cast %parallel_loop3A_392 : vector<1x16xf32> to vector<16xf32>
      %parallel_loop3A_394 = arith.maximumf %parallel_loop3A_386, %parallel_loop3A_393 : vector<16xf32>
      %parallel_loop3A_395 = arith.index_cast %parallel_loop3A_385 : i32 to index
      %parallel_loop3A_396 = arith.constant 16 : index
      %parallel_loop3A_397 = tpu.vector_load %arg5[%parallel_loop3A_395, %parallel_loop3A_396] {strides = array<i32>} : memref<256x64xf32, #tpu.memory_space<vmem>>, vector<1x16xf32>,
      %parallel_loop3A_398 = vector.shape_cast %parallel_loop3A_397 : vector<1x16xf32> to vector<16xf32>
      %parallel_loop3A_399 = arith.maximumf %parallel_loop3A_387, %parallel_loop3A_398 : vector<16xf32>
      %parallel_loop3A_400 = arith.index_cast %parallel_loop3A_385 : i32 to index
      %parallel_loop3A_401 = arith.constant 32 : index
      %parallel_loop3A_402 = tpu.vector_load %arg5[%parallel_loop3A_400, %parallel_loop3A_401] {strides = array<i32>} : memref<256x64xf32, #tpu.memory_space<vmem>>, vector<1x16xf32>,
      %parallel_loop3A_403 = vector.shape_cast %parallel_loop3A_402 : vector<1x16xf32> to vector<16xf32>
      %parallel_loop3A_404 = arith.maximumf %parallel_loop3A_388, %parallel_loop3A_403 : vector<16xf32>
      %parallel_loop3A_405 = arith.index_cast %parallel_loop3A_385 : i32 to index
      %parallel_loop3A_406 = arith.constant 48 : index
      %parallel_loop3A_407 = tpu.vector_load %arg5[%parallel_loop3A_405, %parallel_loop3A_406] {strides = array<i32>} : memref<256x64xf32, #tpu.memory_space<vmem>>, vector<1x16xf32>,
      %parallel_loop3A_408 = vector.shape_cast %parallel_loop3A_407 : vector<1x16xf32> to vector<16xf32>
      %parallel_loop3A_409 = arith.maximumf %parallel_loop3A_389, %parallel_loop3A_408 : vector<16xf32>
      scf.yield %parallel_loop3A_394, %parallel_loop3A_399, %parallel_loop3A_404, %parallel_loop3A_409 : vector<16xf32>, vector<16xf32>, vector<16xf32>, vector<16xf32>
    } {sc.loop_unroll_factor = 8 : i64, sc.parallel_access}
    %add3A_342 = arith.constant 3 : i32
    %add3A_343 = arith.addi %mul3A_2, %add3A_342 : i32
    %dma_start3A_344 = arith.constant 768 : i32
    %dma_start3A_345 = arith.constant 0 : i32
    %dma_start3A_346 = tpu.memref_slice %arg2[%add3A_343, %dma_start3A_344, %dma_start3A_345] : memref<512x1024x64xf32, #tpu.memory_space<hbm>> -> memref<1x256x64xf32, #tpu.memory_space<hbm>>
    %dma_start3A_347 = tpu.memref_squeeze %dma_start3A_346 : memref<1x256x64xf32, #tpu.memory_space<hbm>> -> memref<256x64xf32, #tpu.memory_space<hbm>>
    %dma_start3A_348 = arith.constant 768 : i32
    %dma_start3A_349 = arith.constant 0 : i32
    %dma_start3A_350 = tpu.memref_slice %arg2[%add3A_343, %dma_start3A_348, %dma_start3A_349] : memref<512x1024x64xf32, #tpu.memory_space<hbm>> -> memref<1x256x64xf32, #tpu.memory_space<hbm>>
    %dma_start3A_351 = tpu.memref_squeeze %dma_start3A_350 : memref<1x256x64xf32, #tpu.memory_space<hbm>> -> memref<256x64xf32, #tpu.memory_space<hbm>>
    tpu.enqueue_dma source(%dma_start3A_351 : memref<256x64xf32, #tpu.memory_space<hbm>>) target(%arg5 : memref<256x64xf32, #tpu.memory_space<vmem>>) target_semaphore(%arg8 : memref<!tpu.dma_semaphore, #tpu.memory_space<semaphore_mem>>)
    %dma_wait3A_352 = arith.constant 512 : i32
    %dma_wait3A_353 = arith.constant 0 : i32
    %dma_wait3A_354 = tpu.memref_slice %arg2[%add3A_321, %dma_wait3A_352, %dma_wait3A_353] : memref<512x1024x64xf32, #tpu.memory_space<hbm>> -> memref<1x256x64xf32, #tpu.memory_space<hbm>>
    %dma_wait3A_355 = tpu.memref_squeeze %dma_wait3A_354 : memref<1x256x64xf32, #tpu.memory_space<hbm>> -> memref<256x64xf32, #tpu.memory_space<hbm>>
    %dma_wait3A_356 = arith.constant 512 : i32
    %dma_wait3A_357 = arith.constant 0 : i32
    %dma_wait3A_358 = tpu.memref_slice %arg2[%add3A_321, %dma_wait3A_356, %dma_wait3A_357] : memref<512x1024x64xf32, #tpu.memory_space<hbm>> -> memref<1x256x64xf32, #tpu.memory_space<hbm>>
    %dma_wait3A_359 = tpu.memref_squeeze %dma_wait3A_358 : memref<1x256x64xf32, #tpu.memory_space<hbm>> -> memref<256x64xf32, #tpu.memory_space<hbm>>
    tpu.wait_dma2 semaphore(%arg7 : memref<!tpu.dma_semaphore, #tpu.memory_space<semaphore_mem>>) src(%dma_wait3A_359 : memref<256x64xf32, #tpu.memory_space<hbm>>) dst(%arg4 : memref<256x64xf32, #tpu.memory_space<vmem>>)
    %parallel_loop3A_360 = arith.constant 0 : i32
    %parallel_loop3A_361 = arith.constant 256 : i32
    %parallel_loop3A_362 = arith.constant 1 : i32
    %parallel_loop3A_363:4 = scf.for %parallel_loop3A_385 = %parallel_loop3A_360 to %parallel_loop3A_361 step %parallel_loop3A_362 iter_args(%parallel_loop3A_386 = %parallel_loop3A_341#0, %parallel_loop3A_387 = %parallel_loop3A_341#1, %parallel_loop3A_388 = %parallel_loop3A_341#2, %parallel_loop3A_389 = %parallel_loop3A_341#3) -> (vector<16xf32>, vector<16xf32>, vector<16xf32>, vector<16xf32>)  : i32 {
      %parallel_loop3A_390 = arith.index_cast %parallel_loop3A_385 : i32 to index
      %parallel_loop3A_391 = arith.constant 0 : index
      %parallel_loop3A_392 = tpu.vector_load %arg4[%parallel_loop3A_390, %parallel_loop3A_391] {strides = array<i32>} : memref<256x64xf32, #tpu.memory_space<vmem>>, vector<1x16xf32>,
      %parallel_loop3A_393 = vector.shape_cast %parallel_loop3A_392 : vector<1x16xf32> to vector<16xf32>
      %parallel_loop3A_394 = arith.maximumf %parallel_loop3A_386, %parallel_loop3A_393 : vector<16xf32>
      %parallel_loop3A_395 = arith.index_cast %parallel_loop3A_385 : i32 to index
      %parallel_loop3A_396 = arith.constant 16 : index
      %parallel_loop3A_397 = tpu.vector_load %arg4[%parallel_loop3A_395, %parallel_loop3A_396] {strides = array<i32>} : memref<256x64xf32, #tpu.memory_space<vmem>>, vector<1x16xf32>,
      %parallel_loop3A_398 = vector.shape_cast %parallel_loop3A_397 : vector<1x16xf32> to vector<16xf32>
      %parallel_loop3A_399 = arith.maximumf %parallel_loop3A_387, %parallel_loop3A_398 : vector<16xf32>
      %parallel_loop3A_400 = arith.index_cast %parallel_loop3A_385 : i32 to index
      %parallel_loop3A_401 = arith.constant 32 : index
      %parallel_loop3A_402 = tpu.vector_load %arg4[%parallel_loop3A_400, %parallel_loop3A_401] {strides = array<i32>} : memref<256x64xf32, #tpu.memory_space<vmem>>, vector<1x16xf32>,
      %parallel_loop3A_403 = vector.shape_cast %parallel_loop3A_402 : vector<1x16xf32> to vector<16xf32>
      %parallel_loop3A_404 = arith.maximumf %parallel_loop3A_388, %parallel_loop3A_403 : vector<16xf32>
      %parallel_loop3A_405 = arith.index_cast %parallel_loop3A_385 : i32 to index
      %parallel_loop3A_406 = arith.constant 48 : index
      %parallel_loop3A_407 = tpu.vector_load %arg4[%parallel_loop3A_405, %parallel_loop3A_406] {strides = array<i32>} : memref<256x64xf32, #tpu.memory_space<vmem>>, vector<1x16xf32>,
      %parallel_loop3A_408 = vector.shape_cast %parallel_loop3A_407 : vector<1x16xf32> to vector<16xf32>
      %parallel_loop3A_409 = arith.maximumf %parallel_loop3A_389, %parallel_loop3A_408 : vector<16xf32>
      scf.yield %parallel_loop3A_394, %parallel_loop3A_399, %parallel_loop3A_404, %parallel_loop3A_409 : vector<16xf32>, vector<16xf32>, vector<16xf32>, vector<16xf32>
    } {sc.loop_unroll_factor = 8 : i64, sc.parallel_access}
    %dma_wait3A_364 = arith.constant 768 : i32
    %dma_wait3A_365 = arith.constant 0 : i32
    %dma_wait3A_366 = tpu.memref_slice %arg2[%add3A_343, %dma_wait3A_364, %dma_wait3A_365] : memref<512x1024x64xf32, #tpu.memory_space<hbm>> -> memref<1x256x64xf32, #tpu.memory_space<hbm>>
    %dma_wait3A_367 = tpu.memref_squeeze %dma_wait3A_366 : memref<1x256x64xf32, #tpu.memory_space<hbm>> -> memref<256x64xf32, #tpu.memory_space<hbm>>
    %dma_wait3A_368 = arith.constant 768 : i32
    %dma_wait3A_369 = arith.constant 0 : i32
    %dma_wait3A_370 = tpu.memref_slice %arg2[%add3A_343, %dma_wait3A_368, %dma_wait3A_369] : memref<512x1024x64xf32, #tpu.memory_space<hbm>> -> memref<1x256x64xf32, #tpu.memory_space<hbm>>
    %dma_wait3A_371 = tpu.memref_squeeze %dma_wait3A_370 : memref<1x256x64xf32, #tpu.memory_space<hbm>> -> memref<256x64xf32, #tpu.memory_space<hbm>>
    tpu.wait_dma2 semaphore(%arg8 : memref<!tpu.dma_semaphore, #tpu.memory_space<semaphore_mem>>) src(%dma_wait3A_371 : memref<256x64xf32, #tpu.memory_space<hbm>>) dst(%arg5 : memref<256x64xf32, #tpu.memory_space<vmem>>)
    %parallel_loop3A_372 = arith.constant 0 : i32
    %parallel_loop3A_373 = arith.constant 256 : i32
    %parallel_loop3A_374 = arith.constant 1 : i32
    %parallel_loop3A_375:4 = scf.for %parallel_loop3A_385 = %parallel_loop3A_372 to %parallel_loop3A_373 step %parallel_loop3A_374 iter_args(%parallel_loop3A_386 = %parallel_loop3A_363#0, %parallel_loop3A_387 = %parallel_loop3A_363#1, %parallel_loop3A_388 = %parallel_loop3A_363#2, %parallel_loop3A_389 = %parallel_loop3A_363#3) -> (vector<16xf32>, vector<16xf32>, vector<16xf32>, vector<16xf32>)  : i32 {
      %parallel_loop3A_390 = arith.index_cast %parallel_loop3A_385 : i32 to index
      %parallel_loop3A_391 = arith.constant 0 : index
      %parallel_loop3A_392 = tpu.vector_load %arg5[%parallel_loop3A_390, %parallel_loop3A_391] {strides = array<i32>} : memref<256x64xf32, #tpu.memory_space<vmem>>, vector<1x16xf32>,
      %parallel_loop3A_393 = vector.shape_cast %parallel_loop3A_392 : vector<1x16xf32> to vector<16xf32>
      %parallel_loop3A_394 = arith.maximumf %parallel_loop3A_386, %parallel_loop3A_393 : vector<16xf32>
      %parallel_loop3A_395 = arith.index_cast %parallel_loop3A_385 : i32 to index
      %parallel_loop3A_396 = arith.constant 16 : index
      %parallel_loop3A_397 = tpu.vector_load %arg5[%parallel_loop3A_395, %parallel_loop3A_396] {strides = array<i32>} : memref<256x64xf32, #tpu.memory_space<vmem>>, vector<1x16xf32>,
      %parallel_loop3A_398 = vector.shape_cast %parallel_loop3A_397 : vector<1x16xf32> to vector<16xf32>
      %parallel_loop3A_399 = arith.maximumf %parallel_loop3A_387, %parallel_loop3A_398 : vector<16xf32>
      %parallel_loop3A_400 = arith.index_cast %parallel_loop3A_385 : i32 to index
      %parallel_loop3A_401 = arith.constant 32 : index
      %parallel_loop3A_402 = tpu.vector_load %arg5[%parallel_loop3A_400, %parallel_loop3A_401] {strides = array<i32>} : memref<256x64xf32, #tpu.memory_space<vmem>>, vector<1x16xf32>,
      %parallel_loop3A_403 = vector.shape_cast %parallel_loop3A_402 : vector<1x16xf32> to vector<16xf32>
      %parallel_loop3A_404 = arith.maximumf %parallel_loop3A_388, %parallel_loop3A_403 : vector<16xf32>
      %parallel_loop3A_405 = arith.index_cast %parallel_loop3A_385 : i32 to index
      %parallel_loop3A_406 = arith.constant 48 : index
      %parallel_loop3A_407 = tpu.vector_load %arg5[%parallel_loop3A_405, %parallel_loop3A_406] {strides = array<i32>} : memref<256x64xf32, #tpu.memory_space<vmem>>, vector<1x16xf32>,
      %parallel_loop3A_408 = vector.shape_cast %parallel_loop3A_407 : vector<1x16xf32> to vector<16xf32>
      %parallel_loop3A_409 = arith.maximumf %parallel_loop3A_389, %parallel_loop3A_408 : vector<16xf32>
      scf.yield %parallel_loop3A_394, %parallel_loop3A_399, %parallel_loop3A_404, %parallel_loop3A_409 : vector<16xf32>, vector<16xf32>, vector<16xf32>, vector<16xf32>
    } {sc.loop_unroll_factor = 8 : i64, sc.parallel_access}
    %max3A_376 = arith.maximumf %parallel_loop3A_375#0, %parallel_loop3A_375#1 : vector<16xf32>
    %max3A_377 = arith.maximumf %parallel_loop3A_375#2, %parallel_loop3A_375#3 : vector<16xf32>
    %max3A_378 = arith.maximumf %max3A_376, %max3A_377 : vector<16xf32>
    %swap3A_379 = arith.constant 3 : i32
    %swap3A_380 = arith.index_cast %swap3A_379 : i32 to index
    %swap3A_381 = arith.constant 0 : index
    %swap3A_382 = tpu.vector_load %arg6[%swap3A_380, %swap3A_381] {strides = array<i32>} : memref<4x16xf32, #tpu.memory_space<vmem>>, vector<1x16xf32>,
    %swap3A_383 = vector.shape_cast %swap3A_382 : vector<1x16xf32> to vector<16xf32>
    %swap3A_384 = vector.shape_cast %max3A_378 : vector<16xf32> to vector<1x16xf32>
    tpu.vector_store %arg6[%swap3A_380, %swap3A_381], %swap3A_384 {strides = array<i32>} : memref<4x16xf32, #tpu.memory_space<vmem>>, vector<1x16xf32>,
    "tpu.region"() ({
      %run_scoped3A = tpu.sem_alloc : memref<!tpu.dma_semaphore, #tpu.memory_space<semaphore_mem>>
      %dma_start3A_385 = arith.constant 0 : i32
      %dma_start3A_386 = arith.constant 0 : i32
      %dma_start3A_387 = tpu.memref_slice %arg3[%add3A, %dma_start3A_385, %dma_start3A_386] : memref<32x4x16xf32, #tpu.memory_space<hbm>> -> memref<1x4x16xf32, #tpu.memory_space<hbm>>
      %dma_start3A_388 = tpu.memref_squeeze %dma_start3A_387 : memref<1x4x16xf32, #tpu.memory_space<hbm>> -> memref<4x16xf32, #tpu.memory_space<hbm>>
      %dma_start3A_389 = arith.constant 0 : i32
      %dma_start3A_390 = arith.constant 0 : i32
      %dma_start3A_391 = tpu.memref_slice %arg3[%add3A, %dma_start3A_389, %dma_start3A_390] : memref<32x4x16xf32, #tpu.memory_space<hbm>> -> memref<1x4x16xf32, #tpu.memory_space<hbm>>
      %dma_start3A_392 = tpu.memref_squeeze %dma_start3A_391 : memref<1x4x16xf32, #tpu.memory_space<hbm>> -> memref<4x16xf32, #tpu.memory_space<hbm>>
      tpu.enqueue_dma source(%arg6 : memref<4x16xf32, #tpu.memory_space<vmem>>) target(%dma_start3A_392 : memref<4x16xf32, #tpu.memory_space<hbm>>) target_semaphore(%run_scoped3A : memref<!tpu.dma_semaphore, #tpu.memory_space<semaphore_mem>>)
      %dma_wait3A_393 = arith.constant 0 : i32
      %dma_wait3A_394 = arith.constant 0 : i32
      %dma_wait3A_395 = tpu.memref_slice %arg3[%add3A, %dma_wait3A_393, %dma_wait3A_394] : memref<32x4x16xf32, #tpu.memory_space<hbm>> -> memref<1x4x16xf32, #tpu.memory_space<hbm>>
      %dma_wait3A_396 = tpu.memref_squeeze %dma_wait3A_395 : memref<1x4x16xf32, #tpu.memory_space<hbm>> -> memref<4x16xf32, #tpu.memory_space<hbm>>
      %dma_wait3A_397 = arith.constant 0 : i32
      %dma_wait3A_398 = arith.constant 0 : i32
      %dma_wait3A_399 = tpu.memref_slice %arg3[%add3A, %dma_wait3A_397, %dma_wait3A_398] : memref<32x4x16xf32, #tpu.memory_space<hbm>> -> memref<1x4x16xf32, #tpu.memory_space<hbm>>
      %dma_wait3A_400 = tpu.memref_squeeze %dma_wait3A_399 : memref<1x4x16xf32, #tpu.memory_space<hbm>> -> memref<4x16xf32, #tpu.memory_space<hbm>>
      tpu.wait_dma2 semaphore(%run_scoped3A : memref<!tpu.dma_semaphore, #tpu.memory_space<semaphore_mem>>) src(%arg6 : memref<4x16xf32, #tpu.memory_space<vmem>>) dst(%dma_wait3A_400 : memref<4x16xf32, #tpu.memory_space<hbm>>)
      tpu.yield
    }) : () -> ()
    return
  }
}

module attributes {stable_mosaic.version = 14 : i64} {
  func.func @_tc_max(%arg0: i32, %arg1: memref<16x1024x64xf32, #tpu.memory_space<vmem>>, %arg2: memref<1x1x16xf32, #tpu.memory_space<vmem>>) attributes {dimension_semantics = [#tpu.dimension_semantics<arbitrary>], iteration_bounds = array<i64: 24>, scalar_prefetch = 0 : i64, scratch_operands = 0 : i64, tpu.core_type = #tpu.core_type<tc>, window_params = [{transform_indices = @transform_0, window_bounds = array<i64: 16, 1024, 64>}, {transform_indices = @transform_1, window_bounds = array<i64: 1, 1, 16>}]} {
    %get3A = arith.constant 0 : index
    %get3A_0 = arith.constant 0 : index
    %get3A_1 = arith.constant 0 : index
    %get3A_2 = vector.load %arg1[%get3A, %get3A_0, %get3A_1] : memref<16x1024x64xf32, #tpu.memory_space<vmem>>, vector<16x1024x64xf32>
    %reduce_max3A = arith.constant dense<0xFF800000> : vector<16xf32>
    %reduce_max3A_3 = vector.multi_reduction <maximumf>, %get3A_2, %reduce_max3A [1, 2] : vector<16x1024x64xf32> to vector<16xf32>
    %swap3A = arith.constant 0 : index
    %swap3A_4 = arith.constant 0 : index
    %swap3A_5 = arith.constant 0 : index
    %swap3A_6 = vector.load %arg2[%swap3A, %swap3A_4, %swap3A_5] : memref<1x1x16xf32, #tpu.memory_space<vmem>>, vector<1x1x16xf32>
    %swap3A_7 = vector.shape_cast %swap3A_6 : vector<1x1x16xf32> to vector<16xf32>
    %swap3A_8 = vector.shape_cast %reduce_max3A_3 : vector<16xf32> to vector<1x1x16xf32>
    tpu.vector_store %arg2[%swap3A, %swap3A_4, %swap3A_5], %swap3A_8 {strides = array<i32>} : memref<1x1x16xf32, #tpu.memory_space<vmem>>, vector<1x1x16xf32>,
    return
  }
  func.func @transform_0(%arg0: i32) -> (i32, i32, i32) {
    %add3A = arith.constant 8 : i32
    %add3A_0 = arith.addi %arg0, %add3A : i32
    %c0_i32 = arith.constant 0 : i32
    %c0_i32_1 = arith.constant 0 : i32
    %c0_i32_2 = arith.constant 0 : i32
    return %add3A_0, %c0_i32, %c0_i32_1 : i32, i32, i32
  }
  func.func @transform_1(%arg0: i32) -> (i32, i32, i32) {
    %c0_i32 = arith.constant 0 : i32
    %c0_i32_0 = arith.constant 0 : i32
    %c0_i32_1 = arith.constant 0 : i32
    return %arg0, %c0_i32, %c0_i32_0 : i32, i32, i32
  }
}

module attributes {stable_mosaic.version = 14 : i64} {
  func.func @_tc_finish(%arg0: memref<8x16x16xf32, #tpu.memory_space<vmem>>, %arg1: memref<24x1x16xf32, #tpu.memory_space<vmem>>, %arg2: memref<32x16xi32, #tpu.memory_space<vmem>>, %arg3: memref<32x128xf32, #tpu.memory_space<vmem>>) attributes {dimension_semantics = [], scalar_prefetch = 0 : i64, scratch_operands = 0 : i64, tpu.core_type = #tpu.core_type<tc>} {
    %get3A = arith.constant 0 : index
    %get3A_0 = arith.constant 0 : index
    %get3A_1 = arith.constant 0 : index
    %get3A_2 = vector.load %arg0[%get3A, %get3A_0, %get3A_1] : memref<8x16x16xf32, #tpu.memory_space<vmem>>, vector<8x16x16xf32>
    %reduce_max3A = arith.constant dense<0xFF800000> : vector<8x16xf32>
    %reduce_max3A_3 = vector.multi_reduction <maximumf>, %get3A_2, %reduce_max3A [2] : vector<8x16x16xf32> to vector<8x16xf32>
    %get3A_4 = arith.constant 0 : index
    %get3A_5 = arith.constant 0 : index
    %get3A_6 = arith.constant 0 : index
    %get3A_7 = vector.load %arg1[%get3A_4, %get3A_5, %get3A_6] : memref<24x1x16xf32, #tpu.memory_space<vmem>>, vector<24x1x16xf32>
    %get3A_8 = vector.shape_cast %get3A_7 : vector<24x1x16xf32> to vector<24x16xf32>
    %concatenate3A = tpu.concatenate %reduce_max3A_3, %get3A_8 in 0 : vector<8x16xf32>, vector<24x16xf32> -> vector<32x16xf32>
    %get3A_9 = arith.constant 0 : index
    %get3A_10 = arith.constant 0 : index
    %get3A_11 = vector.load %arg2[%get3A_9, %get3A_10] : memref<32x16xi32, #tpu.memory_space<vmem>>, vector<32x16xi32>
    %get3A_12 = arith.constant dense<0> : vector<32x16xi32>
    %get3A_13 = arith.cmpi ne, %get3A_11, %get3A_12 : vector<32x16xi32>
    %convert_element_type3A = arith.extui %get3A_13 : vector<32x16xi1> to vector<32x16xi32>
    %convert_element_type3A_14 = arith.sitofp %convert_element_type3A : vector<32x16xi32> to vector<32x16xf32>
    %mul3A = arith.mulf %concatenate3A, %convert_element_type3A_14 : vector<32x16xf32>
    %reduce_sum3A = arith.constant dense<0.000000e+00> : vector<32xf32>
    %reduce_sum3A_15 = vector.multi_reduction <add>, %mul3A, %reduce_sum3A [1] : vector<32x16xf32> to vector<32xf32>
    %reduce_sum3A_16 = arith.constant dense<0.000000e+00> : vector<32xf32>
    %reduce_sum3A_17 = vector.multi_reduction <add>, %convert_element_type3A_14, %reduce_sum3A_16 [1] : vector<32x16xf32> to vector<32xf32>
    %div3A = arith.divf %reduce_sum3A_15, %reduce_sum3A_17 : vector<32xf32>
    %broadcast_in_dim3A = vector.shape_cast %div3A : vector<32xf32> to vector<32x1xf32>
    %broadcast_in_dim3A_18 = vector.shape_cast %broadcast_in_dim3A : vector<32x1xf32> to vector<32x1xf32>
    %broadcast_in_dim3A_19 = vector.broadcast %broadcast_in_dim3A_18 : vector<32x1xf32> to vector<32x128xf32>
    %swap3A = arith.constant 0 : index
    %swap3A_20 = arith.constant 0 : index
    %swap3A_21 = vector.load %arg3[%swap3A, %swap3A_20] : memref<32x128xf32, #tpu.memory_space<vmem>>, vector<32x128xf32>
    tpu.vector_store %arg3[%swap3A, %swap3A_20], %broadcast_in_dim3A_19 {strides = array<i32>} : memref<32x128xf32, #tpu.memory_space<vmem>>, vector<32x128xf32>,
    return
  }
}

</mosaic_0001>

<sc_bundles>
// kernel: kernel.5.cloned.1.call-start
scs
__scs_entry_jumppad:
0x0: {  	(pc) =	sbr.rel $0x88, $3  }
0x1: {  	(tag) =	ssettag $0x0;
	lr =	simm.s32 $0x1  }
0x2: {  	[smem:$0x3F9F] =	sst lr;
	_ =	strace $0xD0000000  }
0x3: {  	_ = 	snop  }
0x4: {  	_ = 	snop  }
0x5: {  	_ = 	snop  }
0x6: {  	_ = 	snop  }
0x7: {  	_ = 	snop  }
__scs_overlays_trampoline_lowered:
0x8: {  	[smem:$0x3FAE] =	sst s0  }
0x9: {  	[smem:$0x3FAF] =	sst s1  }
0xa: {  	[smem:$0x3FB0] =	sst s2  }
0xb: {  	[smem:$0x3FB1] =	sst s3  }
0xc: {  	[smem:$0x3FB2] =	sst s4  }
0xd: {  	[smem:$0x3FB3] =	sst s5  }
0xe: {  	[smem:$0x3FB4] =	sst s6  }
0xf: {  	[smem:$0x3FB5] =	sst s7  }
0x10: {  	[smem:$0x3FB6] =	sst s8  }
0x11: {  	[smem:$0x3FB7] =	sst s9;
	s0 =	simm.s32 @!p0 $0x0  }
0x12: {  	s1 =	sld [smem:$0x3F9D];
	s0 =	simm.s32 @p0 $0x1  }
0x13: {  	[smem:$0x3FB8] =	sst s0;
	s0 =	simm.s32 @!p1 $0x0  }
0x14: {  	s2 =	sld [smem:$0x3F9C];
	s0 =	simm.s32 @p1 $0x1  }
0x15: {  	[smem:$0x3FB9] =	sst s0;
	s0 =	simm.s32 @!p2 $0x0  }
0x16: {  	s3 =	sld [smem:$0x3FDB];
	s0 =	simm.s32 @p2 $0x1  }
0x17: {  	s4 =	simm.s32 $0x1BF5;
	[smem:$0x3FBB] =	sst s0  }
0x18: {  	s0 =	sld [smem:$0x3F9E];
	_ =	swait.ge [sflag:s4], $0x0  }
0x19: {  	s7 =	sld [smem:$0x3F9F]  }
0x1a: {  	s8 =	sadd.s32 $0xFFFFE003, lr  }
0x1b: {  	s9 =	sadd.s32 $0xFFFFFEF7, lr;
	s5 =	simm.s32 $0xFFFFFFFF;
	p2 =	slt.u32 s8, $0xFFFFF086  }
0x1c: {  	p1 =	slt.u32 s9, $0xF7A;
	s5 =	simm.s32 @!p2 $0x0  }
0x1d: {  	s5 =	simm.s32 @p1 $0x1;
	p0 =	seq.s32 s7, s2  }
0x1e: {  	s7 =	smul.u32 @!p0 $0xF7A, s2;
	p2 =	seq.s32 @!p0 s5, $0x0  }
0x1f: {  	s9 =	smul.u32 $0xF7A, s1;
	s8 =	simm.s32 @!p0 $0x1BF5;
	p2 =	por !p2, p0  }
0x20: {  	[sflag:s8] =	ssyncset.s32 @!p0 $0xFFFFF086;
	s6 =	sadd.s32 @!p0 s3, s7;
	s7 =	simm.s32 @!p0 $0x108  }
0x21: {  	s3 =	sadd.s32 s3, s9;
	s6 =	sadd.s32 @!p0 $0x88, s6;
	s7 =	simm.s32 @p2 $0x1082  }
0x22: {  	[simem:s7], [sflag:s8] =	dma.local @!p0 [hbm:s6], $0xF7A  }
0x23: {  	s9 =	sor.u32 $0xD0000000, s2;
	s6 =	simm.s32 $0x108;
	_ =	swait.ge @!p0 [sflag:s8], $0x0  }
0x24: {  	s3 =	sadd.s32 $0x88, s3;
	s6 =	simm.s32 @!p1 $0x1082;
	[sflag:s4] =	ssyncset.s32 $0xFFFFF086  }
0x25: {  	[simem:s6], [sflag:s4] =	dma.local [hbm:s3], $0xF7A  }
0x26: {  	[smem:$0x3F9F] =	sst s1;
	(tag) =	ssettag s2;
	_ =	strace s9  }
0x27: {  	s1 =	sld [smem:$0x3FAF]  }
0x28: {  	s2 =	sld [smem:$0x3FB0]  }
0x29: {  	s4 =	sld [smem:$0x3FB2]  }
0x2a: {  	p0 =	seq.s32 s5, $0x0;
	s5 =	sld [smem:$0x3FB3]  }
0x2b: {  	s6 =	sld [smem:$0x3FB4]  }
0x2c: {  	s7 =	sld [smem:$0x3FB5]  }
0x2d: {  	s3 =	simm.s32 $0x108;
	s8 =	sld [smem:$0x3FB6]  }
0x2e: {  	s3 =	simm.s32 @!p0 $0x1082;
	s9 =	sld [smem:$0x3FB7]  }
0x2f: {  	lr =	sadd.s32 s0, s3;
	s0 =	sld [smem:$0x3FAE]  }
0x30: {  	s3 =	sld [smem:$0x3FB1]  }
0x31: {  	[smem:$0x3FBA] =	sst s10  }
0x32: {  	s10 =	sld [smem:$0x3FB8];
	_ =	sdelay $0x3  }
0x33: {  	p0 =	seq.s32 s10, $0x1;
	s10 =	sld [smem:$0x3FBA];
	_ =	sdelay $0x3  }
0x34: {  	[smem:$0x3FBA] =	sst s10  }
0x35: {  	s10 =	sld [smem:$0x3FB9];
	_ =	sdelay $0x3  }
0x36: {  	p1 =	seq.s32 s10, $0x1;
	s10 =	sld [smem:$0x3FBA];
	_ =	sdelay $0x3  }
0x37: {  	[smem:$0x3FBA] =	sst s10  }
0x38: {  	s10 =	sld [smem:$0x3FBB]  }
0x39: {  	_ = 	snop;
	(pc) =	sbr.ind lr, $3  }
0x3a: {  	_ = 	snop  }
0x3b: {  	_ = 	snop  }
0x3c: {  	p2 =	seq.s32 s10, $0x1;
	s10 =	sld [smem:$0x3FBA]  }
0x3d: {  	_ =	shalt  }
0x3e: {  	_ =	shalt  }
0x3f: {  	_ =	shalt  }
0x40: {  	_ =	shalt  }
0x41: {  	_ =	shalt  }
0x42: {  	_ =	shalt  }
0x43: {  	_ =	shalt  }
0x44: {  	_ =	shalt  }
0x45: {  	_ =	shalt  }
0x46: {  	_ =	shalt  }
0x47: {  	_ =	shalt  }
0x48: {  	_ =	shalt  }
0x49: {  	_ =	shalt  }
0x4a: {  	_ =	shalt  }
0x4b: {  	_ =	shalt  }
0x4c: {  	_ =	shalt  }
0x4d: {  	_ =	shalt  }
0x4e: {  	_ =	shalt  }
0x4f: {  	_ =	shalt  }
0x50: {  	_ =	shalt  }
0x51: {  	_ =	shalt  }
0x52: {  	_ =	shalt  }
0x53: {  	_ =	shalt  }
0x54: {  	_ =	shalt  }
0x55: {  	_ =	shalt  }
0x56: {  	_ =	shalt  }
0x57: {  	_ =	shalt  }
0x58: {  	_ =	shalt  }
0x59: {  	_ =	shalt  }
0x5a: {  	_ =	shalt  }
0x5b: {  	_ =	shalt  }
0x5c: {  	_ =	shalt  }
0x5d: {  	_ =	shalt  }
0x5e: {  	_ =	shalt  }
0x5f: {  	_ =	shalt  }
0x60: {  	_ =	shalt  }
0x61: {  	_ =	shalt  }
0x62: {  	_ =	shalt  }
0x63: {  	_ =	shalt  }
0x64: {  	_ =	shalt  }
0x65: {  	_ =	shalt  }
0x66: {  	_ =	shalt  }
0x67: {  	_ =	shalt  }
0x68: {  	_ =	shalt  }
0x69: {  	_ =	shalt  }
0x6a: {  	_ =	shalt  }
0x6b: {  	_ =	shalt  }
0x6c: {  	_ =	shalt  }
0x6d: {  	_ =	shalt  }
0x6e: {  	_ =	shalt  }
0x6f: {  	_ =	shalt  }
0x70: {  	_ =	shalt  }
0x71: {  	_ =	shalt  }
0x72: {  	_ =	shalt  }
0x73: {  	_ =	shalt  }
0x74: {  	_ =	shalt  }
0x75: {  	_ =	shalt  }
0x76: {  	_ =	shalt  }
0x77: {  	_ =	shalt  }
0x78: {  	_ =	shalt  }
0x79: {  	_ =	shalt  }
0x7a: {  	_ =	shalt  }
0x7b: {  	_ =	shalt  }
0x7c: {  	_ =	shalt  }
0x7d: {  	_ =	shalt  }
0x7e: {  	_ =	shalt  }
0x7f: {  	_ =	shalt  }
0x80: {  	_ =	shalt  }
0x81: {  	_ =	shalt  }
0x82: {  	_ =	shalt  }
0x83: {  	_ =	shalt  }
0x84: {  	_ =	shalt  }
0x85: {  	_ =	shalt  }
0x86: {  	_ =	shalt  }
0x87: {  	_ =	shalt  }
.Lfunc_end0:
.L_simem_size_0:
called_computation_lowered:
.L_overlay_start_0:
0x88: {  	s2 =	sld [smem:$0x3FD9]  }
0x89: {  	s3 =	sld [smem:$0x3FFE];
	_ =	sdelay $0x1  }
0x8a: {  	s1 =	srdreg.scid  }
0x8b: {  	s0 =	sand.u32 $0x1, s1  }
0x8c: {  	s17 =	sshll.u32 s0, $0xA;
	s2 =	sadd.s32 s3, s2  }
0x8d: {  	s2 =	sadd.s32 s2, s17  }
0x8e: {  	[smem:$0x3FC6] =	sst s2  }
0x8f: {  	_ = 	snop  }
0x90: {  	s2 =	sld [smem:$0x3FC9];
	(tm) =	ssettm $0x1  }
0x91: {  	s18 =	sld [smem:$0x3FFB];
	_ =	sdelay $0x3  }
0x92: {  	_ =	strace s18  }
0x93: {  	s3 =	sld [smem:$0x3FFC];
	_ =	sdelay $0x3  }
0x94: {  	_ =	strace s3  }
0x95: {  	s3 =	sld [smem:$0x3FFD];
	_ =	sdelay $0x3  }
0x96: {  	_ =	strace s3  }
0x97: {  	_ =	strace $0x8FFFFFFF  }
0x98: {  	s19 =	sld [smem:$0x3FDB];
	_ =	sdelay $0x1  }
0x99: {  	s4 =	simm.s32 $_scs_section_size  }
0x9a: {  	s5 =	simm.s32 $_size__tile_overlayer_lowered;
	s6 =	simm.s32 $_tile_overlayer_lowered  }
0x9b: {  	s22 =	simm.s32 $0x1BFF;
	s21 =	sshll.u32 s6, $0x1;
	s3 =	sadd.s32 s4, s19  }
0x9c: {  	s7 =	simm.s32 $0x0;
	s20 =	sshll.u32 s5, $0x1;
	s5 =	sadd.s32 s21, s3  }
0x9d: {  	[timem:s7], [sflag:s22] =	dma.local [hbm:s5], s20  }
0x9e: {  	_ =	swait.ge [sflag:s22], s20  }
0x9f: {  	s4 =	ssub.s32 $0x0, s20;
	[sflag:s22] =	ssyncset.done $0x0  }
0xa0: {  	[sflag:s22] =	ssyncadd.s32 s4;
	_ =	sdelay $0x1  }
0xa1: {  	s23 =	simm.s32 $0x1B8B  }
0xa2: {  	_ =	swait.ge [sflag:s23], $0x1  }
0xa3: {  	[sflag:s23] =	ssyncset.done $0x0  }
0xa4: {  	s25 =	simm.s32 $0x1B8E;
	s24 =	sld [smem:$0x3FFE];
	[sflag:s23] =	ssyncadd.s32 $0xFFFFFFFF  }
0xa5: {  	s26 =	simm.s32 $execute0_lowered;
	[smem:$0x3FD2] =	sst s25  }
0xa6: {  	s5 =	sshll.u32 s26, $0x1;
	_ =	strace $0x80000046;
	[dreg:$0x1] =	wrdreg $0xFFFFFFFF  }
0xa7: {  	s28 =	simm.s32 $_size_execute0_lowered;
	s3 =	sadd.s32 s3, s5;
	[dreg:$0x0] =	wrdreg $0x0  }
0xa8: {  	s5 =	sshll.u32 s28, $0x1;
	[dreg:$0x2] =	wrdreg s3  }
0xa9: {  	[dreg:$0x3] =	wrdreg s5  }
0xaa: {  	[dreg:$0x4] =	wrdreg $0xC0  }
0xab: {  	_ =	task [dreg:s7], $0x5FFFF  }
0xac: {  	[dreg:$0x1] =	wrdreg $0xFFFFFFFF  }
0xad: {  	[dreg:$0x0] =	wrdreg $0x60  }
0xae: {  	[dreg:$0x2] =	wrdreg s2  }
0xaf: {  	[dreg:$0x3] =	wrdreg s24  }
0xb0: {  	[dreg:$0x4] =	wrdreg $0x9  }
0xb1: {  	_ =	task.clear_ibuf [dreg:s7], $0x5FFFF;
	_ =	strace $0x90000046  }
0xb2: {  	s29 =	simm.s32 $0x9;
	_ =	strace $0x80000048  }
0xb3: {  	_ =	swait.ge [sflag:s29], $0x1  }
0xb4: {  	[sflag:s29] =	ssyncadd.s32 $0xFFFFFFFF  }
0xb5: {  	_ =	strace $0x90000048  }
0xb6: {  	_ =	sfence  }
0xb7: {  	s30 =	sld [smem:$0x0];
	_ =	sdelay $0x2  }
0xb8: {  	s31 =	sshll.u32 s1, $0xD;
	s1 =	sshrl.u32 s1, $0x2  }
0xb9: {  	s3 =	sand.u32 $0x4000, s31;
	s1 =	sadd.s32 s1, s30  }
0xba: {  	s0 =	sor.u32 s3, s0;
	s1 =	sshll.u32 s1, $0x11  }
0xbb: {  	s0 =	sor.u32 s1, s0  }
0xbc: {  	s0 =	sadd.s32 $0x8F2B, s0  }
0xbd: {  	[sflag:s0] =	ssyncadd.remote.s32 $0x1  }
0xbe: {  	_ =	sfence.sel $0xFFFF  }
0xbf: {  	[dreg:$0x0] =	wrdreg $0xFFFFFFFF;
	(pc) =	sbr.abs _section_cstart, $3  }
0xc0: {  	[dreg:$0x1] =	wrdreg $0xFFFFFFFF  }
0xc1: {  	_ =	task.clear_ibuf [dreg:s7], $0x2FFFF;
	_ =	strace $0x9FFFFFFF  }
0xc2: {  	(tm) =	ssettm $0x7FFFFFFF  }
0xc3: {  	_ =	shalt  }
tec
execute0_lowered:
.L_overlay_start_1:
0x0: {  	(tag) =	ssettag $0x1  }
0x1: {  	s3 =	rddreg [dreg:$0x0]  }
0x2: {  	s4 =	rddreg [dreg:$0x1]  }
0x3: {  	s0 =	rddreg [dreg:$0x2];
	s2 =	simm.s32 $0x0;
	s5 =	srdreg.scid  }
0x4: {  	s1 =	stileid.u32;
	s21 =	simm.s32 $0x8000;
	s22 =	simm.s32 $0x1  }
0x5: {  	s23 =	simm.s32 $0x2;
	s24 =	simm.s32 $0x10000;
	s25 =	simm.s32 $0x3  }
0x6: {  	[smem:$0x7FF] =	sst s2;
	s5 =	sand.u32 $0x1, s5;
	s6 =	sshll.u32 s1, $0x1  }
0x7: {  	s26 =	simm.s32 $0x0;
	_ =	strace $0x80000047;
	s6 =	sor.u32 s5, s6  }
0x8: {  	s5 =	ssub.s32 $0x2, s5;
	s7 =	sshll.u32 s6, $0x6;
	s6 =	sshll.u32 s6, $0x10  }
0x9: {  	s31 =	sshrl.u32 s5, $0x1;
	s19 =	sadd.s32 s7, s4;
	s3 =	sadd.s32 s3, s6  }
0xa: {  	s20 =	ssub.s32 s5, s31;
	s4 =	sadd.s32 $0x1000, s3;
	s5 =	sadd.s32 $0x2000, s3  }
0xb: {  	s6 =	sadd.s32 $0x3000, s3;
	s7 =	sadd.s32 $0x4000, s3;
	s8 =	sadd.s32 $0x5000, s3  }
0xc: {  	s9 =	sadd.s32 $0x6000, s3;
	s10 =	sadd.s32 $0x7000, s3;
	s11 =	sadd.s32 $0x8000, s3  }
0xd: {  	s12 =	sadd.s32 $0x9000, s3;
	s13 =	sadd.s32 $0xA000, s3;
	s14 =	sadd.s32 $0xB000, s3  }
0xe: {  	s15 =	sadd.s32 $0xC000, s3;
	s16 =	sadd.s32 $0xD000, s3;
	s17 =	sadd.s32 $0xE000, s3  }
0xf: {  	s18 =	sadd.s32 $0xF000, s3;
	s19 =	sadd.s32 $0x400, s19;
	s20 =	smax.u32 s20, $0x1  }
.LBB2_1:
0x10: {  	[tilespmem:s2], [sflag:$0x1] =	stream.linear.gather [hbm4b:s3+s2], $0x8000, $0x38;
	[tilespmem:$0x10200] =	vst v63  }
0x11: {  	_ = 	snop  }
0x12: {  	[tilespmem:s21], [sflag:$0x2] =	stream.linear.gather [hbm4b:s4+s2], $0x8000, $0x38;
	[tilespmem:$0x10200] =	vst v63  }
0x13: {  	_ =	swait.ge [sflag:s22], $0x8000  }
0x14: {  	[sflag:s22] =	ssyncset.done $0x0  }
0x15: {  	s29 =	simm.s32 $0x0;
	[sflag:s22] =	ssyncadd.s32 $0xFFFF8000  }
0x16: {  	v3 =	vld [tilespmem:s29+$0x30]  }
0x17: {  	v0 =	vld [tilespmem:s29+$0x0]  }
0x18: {  	v2 =	vimm.f32 $-Inf;
	v4 =	vld [tilespmem:s29+$0x10]  }
0x19: {  	s28 =	simm.s32 $0x200;
	v8 =	vimm.f32 $-Inf;
	v9 =	vimm.f32 $-Inf;
	v10 =	vimm.f32 $-Inf;
	v7 =	vld [tilespmem:s29+$0x20]  }
.LBB2_2:
0x1a: {  	p0 =	sne.s32 s28, $0x1FE00  }
.Ltmp0:
0x1b: {  	s29 =	sshra.s32 s28, $0x2;
	s28 =	sadd.s32 $0x200, s28;
	v2 =	vmax.f32 v2, v3;
	(pc) =	sbr.rel @p0 .LBB2_2-.Ltmp0, $4  }
0x1c: {  	v3 =	vld [tilespmem:s29+$0x30];
	v8 =	vmax.f32 v8, v0  }
0x1d: {  	v0 =	vld [tilespmem:s29+$0x0];
	v9 =	vmax.f32 v9, v4  }
0x1e: {  	v4 =	vld [tilespmem:s29+$0x10];
	v10 =	vmax.f32 v10, v7  }
0x1f: {  	v7 =	vld [tilespmem:s29+$0x20]  }
0x20: {  	s28 =	simm.s32 $0x0  }
0x21: {  	[tilespmem:s28], [sflag:$0x1] =	stream.linear.gather [hbm4b:s5+s28], $0x8000, $0x38;
	[tilespmem:$0x10200] =	vst v63  }
0x22: {  	_ =	swait.ge [sflag:s23], $0x8000  }
0x23: {  	[sflag:s23] =	ssyncset.done $0x0  }
0x24: {  	s29 =	simm.s32 $0x0;
	[sflag:s23] =	ssyncadd.s32 $0xFFFF8000  }
0x25: {  	v5 =	vld [tilespmem:s29+$0x8030]  }
0x26: {  	v1 =	vld [tilespmem:s29+$0x8000]  }
0x27: {  	v2 =	vmax.f32 v2, v3;
	v6 =	vld [tilespmem:s29+$0x8010]  }
0x28: {  	s28 =	simm.s32 $0x200;
	v3 =	vmax.f32 v8, v0;
	v4 =	vmax.f32 v9, v4;
	v7 =	vmax.f32 v10, v7;
	v9 =	vld [tilespmem:s29+$0x8020]  }
.LBB2_4:
0x29: {  	p0 =	sne.s32 s28, $0x1FE00  }
.Ltmp1:
0x2a: {  	s29 =	sshra.s32 s28, $0x2;
	s28 =	sadd.s32 $0x200, s28;
	v2 =	vmax.f32 v2, v5;
	(pc) =	sbr.rel @p0 .LBB2_4-.Ltmp1, $4  }
0x2b: {  	v5 =	vld [tilespmem:s29+$0x8030];
	v3 =	vmax.f32 v3, v1  }
0x2c: {  	v1 =	vld [tilespmem:s29+$0x8000];
	v4 =	vmax.f32 v4, v6  }
0x2d: {  	v6 =	vld [tilespmem:s29+$0x8010];
	v7 =	vmax.f32 v7, v9  }
0x2e: {  	v9 =	vld [tilespmem:s29+$0x8020]  }
0x2f: {  	s28 =	simm.s32 $0x0  }
0x30: {  	[tilespmem:s21], [sflag:$0x2] =	stream.linear.gather [hbm4b:s6+s28], $0x8000, $0x38;
	[tilespmem:$0x10200] =	vst v63  }
0x31: {  	_ =	swait.ge [sflag:s22], $0x8000  }
0x32: {  	[sflag:s22] =	ssyncset.done $0x0  }
0x33: {  	s29 =	simm.s32 $0x0;
	[sflag:s22] =	ssyncadd.s32 $0xFFFF8000  }
0x34: {  	v8 =	vld [tilespmem:s29+$0x30]  }
0x35: {  	v0 =	vld [tilespmem:s29+$0x0]  }
0x36: {  	v2 =	vmax.f32 v2, v5;
	v5 =	vld [tilespmem:s29+$0x10]  }
0x37: {  	s28 =	simm.s32 $0x200;
	v1 =	vmax.f32 v3, v1;
	v3 =	vmax.f32 v4, v6;
	v4 =	vmax.f32 v7, v9;
	v6 =	vld [tilespmem:s29+$0x20]  }
.LBB2_6:
0x38: {  	p0 =	sne.s32 s28, $0x1FE00  }
.Ltmp2:
0x39: {  	s29 =	sshra.s32 s28, $0x2;
	s28 =	sadd.s32 $0x200, s28;
	v2 =	vmax.f32 v2, v8;
	(pc) =	sbr.rel @p0 .LBB2_6-.Ltmp2, $4  }
0x3a: {  	v8 =	vld [tilespmem:s29+$0x30];
	v1 =	vmax.f32 v1, v0  }
0x3b: {  	v0 =	vld [tilespmem:s29+$0x0];
	v3 =	vmax.f32 v3, v5  }
0x3c: {  	v5 =	vld [tilespmem:s29+$0x10];
	v4 =	vmax.f32 v4, v6  }
0x3d: {  	v6 =	vld [tilespmem:s29+$0x20]  }
0x3e: {  	s28 =	simm.s32 $0x0  }
0x3f: {  	[tilespmem:s28], [sflag:$0x1] =	stream.linear.gather [hbm4b:s7+s28], $0x8000, $0x38;
	[tilespmem:$0x10200] =	vst v63  }
0x40: {  	_ =	swait.ge [sflag:s23], $0x8000  }
0x41: {  	[sflag:s23] =	ssyncset.done $0x0  }
0x42: {  	s29 =	simm.s32 $0x0;
	[sflag:s23] =	ssyncadd.s32 $0xFFFF8000  }
0x43: {  	v7 =	vld [tilespmem:s29+$0x8030]  }
0x44: {  	v9 =	vld [tilespmem:s29+$0x8000]  }
0x45: {  	v2 =	vmax.f32 v2, v8;
	v8 =	vld [tilespmem:s29+$0x8010]  }
0x46: {  	s28 =	simm.s32 $0x200;
	v0 =	vmax.f32 v1, v0;
	v1 =	vmax.f32 v3, v5;
	v3 =	vmax.f32 v4, v6;
	v4 =	vld [tilespmem:s29+$0x8020]  }
.LBB2_8:
0x47: {  	p0 =	sne.s32 s28, $0x1FE00  }
.Ltmp3:
0x48: {  	s29 =	sshra.s32 s28, $0x2;
	s28 =	sadd.s32 $0x200, s28;
	v2 =	vmax.f32 v2, v7;
	(pc) =	sbr.rel @p0 .LBB2_8-.Ltmp3, $4  }
0x49: {  	v7 =	vld [tilespmem:s29+$0x8030];
	v0 =	vmax.f32 v0, v9  }
0x4a: {  	v9 =	vld [tilespmem:s29+$0x8000];
	v1 =	vmax.f32 v1, v8  }
0x4b: {  	v8 =	vld [tilespmem:s29+$0x8010];
	v3 =	vmax.f32 v3, v4  }
0x4c: {  	v4 =	vld [tilespmem:s29+$0x8020]  }
0x4d: {  	_ =	sdelay $0x2  }
0x4e: {  	v2 =	vmax.f32 v2, v7  }
0x4f: {  	v0 =	vmax.f32 v0, v9;
	v1 =	vmax.f32 v1, v8;
	v3 =	vmax.f32 v3, v4  }
0x50: {  	v0 =	vmax.f32 v0, v1;
	v1 =	vmax.f32 v3, v2  }
0x51: {  	v0 =	vmax.f32 v0, v1  }
0x52: {  	s28 =	simm.s32 $0x0;
	[tilespmem:$0x10000] =	vst v0  }
0x53: {  	[tilespmem:s21], [sflag:$0x2] =	stream.linear.gather [hbm4b:s8+s28], $0x8000, $0x38;
	[tilespmem:$0x10200] =	vst v63  }
0x54: {  	_ =	swait.ge [sflag:s22], $0x8000  }
0x55: {  	[sflag:s22] =	ssyncset.done $0x0  }
0x56: {  	s29 =	simm.s32 $0x0;
	[sflag:s22] =	ssyncadd.s32 $0xFFFF8000  }
0x57: {  	v3 =	vld [tilespmem:s29+$0x30]  }
0x58: {  	v0 =	vld [tilespmem:s29+$0x0]  }
0x59: {  	v10 =	vimm.f32 $-Inf;
	v4 =	vld [tilespmem:s29+$0x10]  }
0x5a: {  	v9 =	vimm.f32 $-Inf;
	v8 =	vimm.f32 $-Inf;
	v2 =	vimm.f32 $-Inf;
	s28 =	simm.s32 $0x200;
	v7 =	vld [tilespmem:s29+$0x20]  }
.LBB2_10:
0x5b: {  	p0 =	sne.s32 s28, $0x1FE00  }
.Ltmp4:
0x5c: {  	s29 =	sshra.s32 s28, $0x2;
	s28 =	sadd.s32 $0x200, s28;
	v2 =	vmax.f32 v2, v3;
	(pc) =	sbr.rel @p0 .LBB2_10-.Ltmp4, $4  }
0x5d: {  	v3 =	vld [tilespmem:s29+$0x30];
	v8 =	vmax.f32 v8, v0  }
0x5e: {  	v0 =	vld [tilespmem:s29+$0x0];
	v9 =	vmax.f32 v9, v4  }
0x5f: {  	v4 =	vld [tilespmem:s29+$0x10];
	v10 =	vmax.f32 v10, v7  }
0x60: {  	v7 =	vld [tilespmem:s29+$0x20]  }
0x61: {  	s28 =	simm.s32 $0x0  }
0x62: {  	[tilespmem:s28], [sflag:$0x1] =	stream.linear.gather [hbm4b:s9+s28], $0x8000, $0x38;
	[tilespmem:$0x10200] =	vst v63  }
0x63: {  	_ =	swait.ge [sflag:s23], $0x8000  }
0x64: {  	[sflag:s23] =	ssyncset.done $0x0  }
0x65: {  	s29 =	simm.s32 $0x0;
	[sflag:s23] =	ssyncadd.s32 $0xFFFF8000  }
0x66: {  	v5 =	vld [tilespmem:s29+$0x8030]  }
0x67: {  	v1 =	vld [tilespmem:s29+$0x8000]  }
0x68: {  	v2 =	vmax.f32 v2, v3;
	v6 =	vld [tilespmem:s29+$0x8010]  }
0x69: {  	s28 =	simm.s32 $0x200;
	v3 =	vmax.f32 v8, v0;
	v4 =	vmax.f32 v9, v4;
	v7 =	vmax.f32 v10, v7;
	v9 =	vld [tilespmem:s29+$0x8020]  }
.LBB2_12:
0x6a: {  	p0 =	sne.s32 s28, $0x1FE00  }
.Ltmp5:
0x6b: {  	s29 =	sshra.s32 s28, $0x2;
	s28 =	sadd.s32 $0x200, s28;
	v2 =	vmax.f32 v2, v5;
	(pc) =	sbr.rel @p0 .LBB2_12-.Ltmp5, $4  }
0x6c: {  	v5 =	vld [tilespmem:s29+$0x8030];
	v3 =	vmax.f32 v3, v1  }
0x6d: {  	v1 =	vld [tilespmem:s29+$0x8000];
	v4 =	vmax.f32 v4, v6  }
0x6e: {  	v6 =	vld [tilespmem:s29+$0x8010];
	v7 =	vmax.f32 v7, v9  }
0x6f: {  	v9 =	vld [tilespmem:s29+$0x8020]  }
0x70: {  	s28 =	simm.s32 $0x0  }
0x71: {  	[tilespmem:s21], [sflag:$0x2] =	stream.linear.gather [hbm4b:s10+s28], $0x8000, $0x38;
	[tilespmem:$0x10200] =	vst v63  }
0x72: {  	_ =	swait.ge [sflag:s22], $0x8000  }
0x73: {  	[sflag:s22] =	ssyncset.done $0x0  }
0x74: {  	s29 =	simm.s32 $0x0;
	[sflag:s22] =	ssyncadd.s32 $0xFFFF8000  }
0x75: {  	v8 =	vld [tilespmem:s29+$0x30]  }
0x76: {  	v0 =	vld [tilespmem:s29+$0x0]  }
0x77: {  	v2 =	vmax.f32 v2, v5;
	v5 =	vld [tilespmem:s29+$0x10]  }
0x78: {  	s28 =	simm.s32 $0x200;
	v1 =	vmax.f32 v3, v1;
	v3 =	vmax.f32 v4, v6;
	v4 =	vmax.f32 v7, v9;
	v6 =	vld [tilespmem:s29+$0x20]  }
.LBB2_14:
0x79: {  	p0 =	sne.s32 s28, $0x1FE00  }
.Ltmp6:
0x7a: {  	s29 =	sshra.s32 s28, $0x2;
	s28 =	sadd.s32 $0x200, s28;
	v2 =	vmax.f32 v2, v8;
	(pc) =	sbr.rel @p0 .LBB2_14-.Ltmp6, $4  }
0x7b: {  	v8 =	vld [tilespmem:s29+$0x30];
	v1 =	vmax.f32 v1, v0  }
0x7c: {  	v0 =	vld [tilespmem:s29+$0x0];
	v3 =	vmax.f32 v3, v5  }
0x7d: {  	v5 =	vld [tilespmem:s29+$0x10];
	v4 =	vmax.f32 v4, v6  }
0x7e: {  	v6 =	vld [tilespmem:s29+$0x20]  }
0x7f: {  	s28 =	simm.s32 $0x0  }
0x80: {  	[tilespmem:s28], [sflag:$0x1] =	stream.linear.gather [hbm4b:s11+s28], $0x8000, $0x38;
	[tilespmem:$0x10200] =	vst v63  }
0x81: {  	_ =	swait.ge [sflag:s23], $0x8000  }
0x82: {  	[sflag:s23] =	ssyncset.done $0x0  }
0x83: {  	s29 =	simm.s32 $0x0;
	[sflag:s23] =	ssyncadd.s32 $0xFFFF8000  }
0x84: {  	v7 =	vld [tilespmem:s29+$0x8030]  }
0x85: {  	v9 =	vld [tilespmem:s29+$0x8000]  }
0x86: {  	v2 =	vmax.f32 v2, v8;
	v8 =	vld [tilespmem:s29+$0x8010]  }
0x87: {  	s28 =	simm.s32 $0x200;
	v0 =	vmax.f32 v1, v0;
	v1 =	vmax.f32 v3, v5;
	v3 =	vmax.f32 v4, v6;
	v4 =	vld [tilespmem:s29+$0x8020]  }
.LBB2_16:
0x88: {  	p0 =	sne.s32 s28, $0x1FE00  }
.Ltmp7:
0x89: {  	s29 =	sshra.s32 s28, $0x2;
	s28 =	sadd.s32 $0x200, s28;
	v2 =	vmax.f32 v2, v7;
	(pc) =	sbr.rel @p0 .LBB2_16-.Ltmp7, $4  }
0x8a: {  	v7 =	vld [tilespmem:s29+$0x8030];
	v0 =	vmax.f32 v0, v9  }
0x8b: {  	v9 =	vld [tilespmem:s29+$0x8000];
	v1 =	vmax.f32 v1, v8  }
0x8c: {  	v8 =	vld [tilespmem:s29+$0x8010];
	v3 =	vmax.f32 v3, v4  }
0x8d: {  	v4 =	vld [tilespmem:s29+$0x8020]  }
0x8e: {  	_ =	sdelay $0x2  }
0x8f: {  	v2 =	vmax.f32 v2, v7  }
0x90: {  	v0 =	vmax.f32 v0, v9;
	v1 =	vmax.f32 v1, v8;
	v3 =	vmax.f32 v3, v4  }
0x91: {  	v0 =	vmax.f32 v0, v1;
	v1 =	vmax.f32 v3, v2  }
0x92: {  	v0 =	vmax.f32 v0, v1  }
0x93: {  	s28 =	simm.s32 $0x0;
	[tilespmem:$0x10080] =	vst v0  }
0x94: {  	[tilespmem:s21], [sflag:$0x2] =	stream.linear.gather [hbm4b:s12+s28], $0x8000, $0x38;
	[tilespmem:$0x10200] =	vst v63  }
0x95: {  	_ =	swait.ge [sflag:s22], $0x8000  }
0x96: {  	[sflag:s22] =	ssyncset.done $0x0  }
0x97: {  	s29 =	simm.s32 $0x0;
	[sflag:s22] =	ssyncadd.s32 $0xFFFF8000  }
0x98: {  	v3 =	vld [tilespmem:s29+$0x30]  }
0x99: {  	v0 =	vld [tilespmem:s29+$0x0]  }
0x9a: {  	v10 =	vimm.f32 $-Inf;
	v4 =	vld [tilespmem:s29+$0x10]  }
0x9b: {  	v9 =	vimm.f32 $-Inf;
	v8 =	vimm.f32 $-Inf;
	v2 =	vimm.f32 $-Inf;
	s28 =	simm.s32 $0x200;
	v7 =	vld [tilespmem:s29+$0x20]  }
.LBB2_18:
0x9c: {  	p0 =	sne.s32 s28, $0x1FE00  }
.Ltmp8:
0x9d: {  	s29 =	sshra.s32 s28, $0x2;
	s28 =	sadd.s32 $0x200, s28;
	v2 =	vmax.f32 v2, v3;
	(pc) =	sbr.rel @p0 .LBB2_18-.Ltmp8, $4  }
0x9e: {  	v3 =	vld [tilespmem:s29+$0x30];
	v8 =	vmax.f32 v8, v0  }
0x9f: {  	v0 =	vld [tilespmem:s29+$0x0];
	v9 =	vmax.f32 v9, v4  }
0xa0: {  	v4 =	vld [tilespmem:s29+$0x10];
	v10 =	vmax.f32 v10, v7  }
0xa1: {  	v7 =	vld [tilespmem:s29+$0x20]  }
0xa2: {  	s28 =	simm.s32 $0x0  }
0xa3: {  	[tilespmem:s28], [sflag:$0x1] =	stream.linear.gather [hbm4b:s13+s28], $0x8000, $0x38;
	[tilespmem:$0x10200] =	vst v63  }
0xa4: {  	_ =	swait.ge [sflag:s23], $0x8000  }
0xa5: {  	[sflag:s23] =	ssyncset.done $0x0  }
0xa6: {  	s29 =	simm.s32 $0x0;
	[sflag:s23] =	ssyncadd.s32 $0xFFFF8000  }
0xa7: {  	v5 =	vld [tilespmem:s29+$0x8030]  }
0xa8: {  	v1 =	vld [tilespmem:s29+$0x8000]  }
0xa9: {  	v2 =	vmax.f32 v2, v3;
	v6 =	vld [tilespmem:s29+$0x8010]  }
0xaa: {  	s28 =	simm.s32 $0x200;
	v3 =	vmax.f32 v8, v0;
	v4 =	vmax.f32 v9, v4;
	v7 =	vmax.f32 v10, v7;
	v9 =	vld [tilespmem:s29+$0x8020]  }
.LBB2_20:
0xab: {  	p0 =	sne.s32 s28, $0x1FE00  }
.Ltmp9:
0xac: {  	s29 =	sshra.s32 s28, $0x2;
	s28 =	sadd.s32 $0x200, s28;
	v2 =	vmax.f32 v2, v5;
	(pc) =	sbr.rel @p0 .LBB2_20-.Ltmp9, $4  }
0xad: {  	v5 =	vld [tilespmem:s29+$0x8030];
	v3 =	vmax.f32 v3, v1  }
0xae: {  	v1 =	vld [tilespmem:s29+$0x8000];
	v4 =	vmax.f32 v4, v6  }
0xaf: {  	v6 =	vld [tilespmem:s29+$0x8010];
	v7 =	vmax.f32 v7, v9  }
0xb0: {  	v9 =	vld [tilespmem:s29+$0x8020]  }
0xb1: {  	s28 =	simm.s32 $0x0  }
0xb2: {  	[tilespmem:s21], [sflag:$0x2] =	stream.linear.gather [hbm4b:s14+s28], $0x8000, $0x38;
	[tilespmem:$0x10200] =	vst v63  }
0xb3: {  	_ =	swait.ge [sflag:s22], $0x8000  }
0xb4: {  	[sflag:s22] =	ssyncset.done $0x0  }
0xb5: {  	s29 =	simm.s32 $0x0;
	[sflag:s22] =	ssyncadd.s32 $0xFFFF8000  }
0xb6: {  	v8 =	vld [tilespmem:s29+$0x30]  }
0xb7: {  	v0 =	vld [tilespmem:s29+$0x0]  }
0xb8: {  	v2 =	vmax.f32 v2, v5;
	v5 =	vld [tilespmem:s29+$0x10]  }
0xb9: {  	s28 =	simm.s32 $0x200;
	v1 =	vmax.f32 v3, v1;
	v3 =	vmax.f32 v4, v6;
	v4 =	vmax.f32 v7, v9;
	v6 =	vld [tilespmem:s29+$0x20]  }
.LBB2_22:
0xba: {  	p0 =	sne.s32 s28, $0x1FE00  }
.Ltmp10:
0xbb: {  	s29 =	sshra.s32 s28, $0x2;
	s28 =	sadd.s32 $0x200, s28;
	v2 =	vmax.f32 v2, v8;
	(pc) =	sbr.rel @p0 .LBB2_22-.Ltmp10, $4  }
0xbc: {  	v8 =	vld [tilespmem:s29+$0x30];
	v1 =	vmax.f32 v1, v0  }
0xbd: {  	v0 =	vld [tilespmem:s29+$0x0];
	v3 =	vmax.f32 v3, v5  }
0xbe: {  	v5 =	vld [tilespmem:s29+$0x10];
	v4 =	vmax.f32 v4, v6  }
0xbf: {  	v6 =	vld [tilespmem:s29+$0x20]  }
0xc0: {  	s28 =	simm.s32 $0x0  }
0xc1: {  	[tilespmem:s28], [sflag:$0x1] =	stream.linear.gather [hbm4b:s15+s28], $0x8000, $0x38;
	[tilespmem:$0x10200] =	vst v63  }
0xc2: {  	_ =	swait.ge [sflag:s23], $0x8000  }
0xc3: {  	[sflag:s23] =	ssyncset.done $0x0  }
0xc4: {  	s29 =	simm.s32 $0x0;
	[sflag:s23] =	ssyncadd.s32 $0xFFFF8000  }
0xc5: {  	v7 =	vld [tilespmem:s29+$0x8030]  }
0xc6: {  	v9 =	vld [tilespmem:s29+$0x8000]  }
0xc7: {  	v2 =	vmax.f32 v2, v8;
	v8 =	vld [tilespmem:s29+$0x8010]  }
0xc8: {  	s28 =	simm.s32 $0x200;
	v0 =	vmax.f32 v1, v0;
	v1 =	vmax.f32 v3, v5;
	v3 =	vmax.f32 v4, v6;
	v4 =	vld [tilespmem:s29+$0x8020]  }
.LBB2_24:
0xc9: {  	p0 =	sne.s32 s28, $0x1FE00  }
.Ltmp11:
0xca: {  	s29 =	sshra.s32 s28, $0x2;
	s28 =	sadd.s32 $0x200, s28;
	v2 =	vmax.f32 v2, v7;
	(pc) =	sbr.rel @p0 .LBB2_24-.Ltmp11, $4  }
0xcb: {  	v7 =	vld [tilespmem:s29+$0x8030];
	v0 =	vmax.f32 v0, v9  }
0xcc: {  	v9 =	vld [tilespmem:s29+$0x8000];
	v1 =	vmax.f32 v1, v8  }
0xcd: {  	v8 =	vld [tilespmem:s29+$0x8010];
	v3 =	vmax.f32 v3, v4  }
0xce: {  	v4 =	vld [tilespmem:s29+$0x8020]  }
0xcf: {  	_ =	sdelay $0x2  }
0xd0: {  	v2 =	vmax.f32 v2, v7  }
0xd1: {  	v0 =	vmax.f32 v0, v9;
	v1 =	vmax.f32 v1, v8;
	v3 =	vmax.f32 v3, v4  }
0xd2: {  	v0 =	vmax.f32 v0, v1;
	v1 =	vmax.f32 v3, v2  }
0xd3: {  	v0 =	vmax.f32 v0, v1  }
0xd4: {  	s28 =	simm.s32 $0x0;
	[tilespmem:$0x10100] =	vst v0  }
0xd5: {  	[tilespmem:s21], [sflag:$0x2] =	stream.linear.gather [hbm4b:s16+s28], $0x8000, $0x38;
	[tilespmem:$0x10200] =	vst v63  }
0xd6: {  	_ =	swait.ge [sflag:s22], $0x8000  }
0xd7: {  	[sflag:s22] =	ssyncset.done $0x0  }
0xd8: {  	s29 =	simm.s32 $0x0;
	[sflag:s22] =	ssyncadd.s32 $0xFFFF8000  }
0xd9: {  	v3 =	vld [tilespmem:s29+$0x30]  }
0xda: {  	v0 =	vld [tilespmem:s29+$0x0]  }
0xdb: {  	v10 =	vimm.f32 $-Inf;
	v4 =	vld [tilespmem:s29+$0x10]  }
0xdc: {  	v9 =	vimm.f32 $-Inf;
	v8 =	vimm.f32 $-Inf;
	v2 =	vimm.f32 $-Inf;
	s28 =	simm.s32 $0x200;
	v7 =	vld [tilespmem:s29+$0x20]  }
.LBB2_26:
0xdd: {  	p0 =	sne.s32 s28, $0x1FE00  }
.Ltmp12:
0xde: {  	s29 =	sshra.s32 s28, $0x2;
	s28 =	sadd.s32 $0x200, s28;
	v2 =	vmax.f32 v2, v3;
	(pc) =	sbr.rel @p0 .LBB2_26-.Ltmp12, $4  }
0xdf: {  	v3 =	vld [tilespmem:s29+$0x30];
	v8 =	vmax.f32 v8, v0  }
0xe0: {  	v0 =	vld [tilespmem:s29+$0x0];
	v9 =	vmax.f32 v9, v4  }
0xe1: {  	v4 =	vld [tilespmem:s29+$0x10];
	v10 =	vmax.f32 v10, v7  }
0xe2: {  	v7 =	vld [tilespmem:s29+$0x20]  }
0xe3: {  	s28 =	simm.s32 $0x0  }
0xe4: {  	[tilespmem:s28], [sflag:$0x1] =	stream.linear.gather [hbm4b:s17+s28], $0x8000, $0x38;
	[tilespmem:$0x10200] =	vst v63  }
0xe5: {  	_ =	swait.ge [sflag:s23], $0x8000  }
0xe6: {  	[sflag:s23] =	ssyncset.done $0x0  }
0xe7: {  	s29 =	simm.s32 $0x0;
	[sflag:s23] =	ssyncadd.s32 $0xFFFF8000  }
0xe8: {  	v5 =	vld [tilespmem:s29+$0x8030]  }
0xe9: {  	v1 =	vld [tilespmem:s29+$0x8000]  }
0xea: {  	v2 =	vmax.f32 v2, v3;
	v6 =	vld [tilespmem:s29+$0x8010]  }
0xeb: {  	s28 =	simm.s32 $0x200;
	v0 =	vmax.f32 v8, v0;
	v3 =	vmax.f32 v9, v4;
	v4 =	vmax.f32 v10, v7;
	v9 =	vld [tilespmem:s29+$0x8020]  }
.LBB2_28:
0xec: {  	p0 =	sne.s32 s28, $0x1FE00  }
.Ltmp13:
0xed: {  	s29 =	sshra.s32 s28, $0x2;
	s28 =	sadd.s32 $0x200, s28;
	v2 =	vmax.f32 v2, v5;
	(pc) =	sbr.rel @p0 .LBB2_28-.Ltmp13, $4  }
0xee: {  	v5 =	vld [tilespmem:s29+$0x8030];
	v0 =	vmax.f32 v0, v1  }
0xef: {  	v1 =	vld [tilespmem:s29+$0x8000];
	v3 =	vmax.f32 v3, v6  }
0xf0: {  	v6 =	vld [tilespmem:s29+$0x8010];
	v4 =	vmax.f32 v4, v9  }
0xf1: {  	v9 =	vld [tilespmem:s29+$0x8020]  }
0xf2: {  	s28 =	simm.s32 $0x0  }
0xf3: {  	[tilespmem:s21], [sflag:$0x2] =	stream.linear.gather [hbm4b:s18+s28], $0x8000, $0x38;
	[tilespmem:$0x10200] =	vst v63  }
0xf4: {  	_ =	swait.ge [sflag:s22], $0x8000  }
0xf5: {  	[sflag:s22] =	ssyncset.done $0x0  }
0xf6: {  	s29 =	simm.s32 $0x0;
	[sflag:s22] =	ssyncadd.s32 $0xFFFF8000  }
0xf7: {  	v8 =	vld [tilespmem:s29+$0x30]  }
0xf8: {  	v7 =	vld [tilespmem:s29+$0x0]  }
0xf9: {  	v2 =	vmax.f32 v2, v5;
	v5 =	vld [tilespmem:s29+$0x10]  }
0xfa: {  	s28 =	simm.s32 $0x200;
	v0 =	vmax.f32 v0, v1;
	v1 =	vmax.f32 v3, v6;
	v3 =	vmax.f32 v4, v9;
	v4 =	vld [tilespmem:s29+$0x20]  }
.LBB2_30:
0xfb: {  	p0 =	sne.s32 s28, $0x1FE00  }
.Ltmp14:
0xfc: {  	s29 =	sshra.s32 s28, $0x2;
	s28 =	sadd.s32 $0x200, s28;
	v2 =	vmax.f32 v2, v8;
	(pc) =	sbr.rel @p0 .LBB2_30-.Ltmp14, $4  }
0xfd: {  	v8 =	vld [tilespmem:s29+$0x30];
	v0 =	vmax.f32 v0, v7  }
0xfe: {  	v7 =	vld [tilespmem:s29+$0x0];
	v1 =	vmax.f32 v1, v5  }
0xff: {  	v5 =	vld [tilespmem:s29+$0x10];
	v3 =	vmax.f32 v3, v4  }
0x100: {  	v4 =	vld [tilespmem:s29+$0x20]  }
0x101: {  	_ =	swait.ge [sflag:s23], $0x8000  }
0x102: {  	[sflag:s23] =	ssyncset.done $0x0  }
0x103: {  	s29 =	simm.s32 $0x0;
	[sflag:s23] =	ssyncadd.s32 $0xFFFF8000  }
0x104: {  	v6 =	vld [tilespmem:s29+$0x8030]  }
0x105: {  	v9 =	vld [tilespmem:s29+$0x8000]  }
0x106: {  	v2 =	vmax.f32 v2, v8;
	v8 =	vld [tilespmem:s29+$0x8010]  }
0x107: {  	s28 =	simm.s32 $0x200;
	v0 =	vmax.f32 v0, v7;
	v1 =	vmax.f32 v1, v5;
	v3 =	vmax.f32 v3, v4;
	v4 =	vld [tilespmem:s29+$0x8020]  }
.LBB2_32:
0x108: {  	p0 =	sne.s32 s28, $0x1FE00  }
.Ltmp15:
0x109: {  	s29 =	sshra.s32 s28, $0x2;
	s28 =	sadd.s32 $0x200, s28;
	v2 =	vmax.f32 v2, v6;
	(pc) =	sbr.rel @p0 .LBB2_32-.Ltmp15, $4  }
0x10a: {  	v6 =	vld [tilespmem:s29+$0x8030];
	v0 =	vmax.f32 v0, v9  }
0x10b: {  	v9 =	vld [tilespmem:s29+$0x8000];
	v1 =	vmax.f32 v1, v8  }
0x10c: {  	v8 =	vld [tilespmem:s29+$0x8010];
	v3 =	vmax.f32 v3, v4  }
0x10d: {  	v4 =	vld [tilespmem:s29+$0x8020]  }
0x10e: {  	_ =	sdelay $0x2  }
0x10f: {  	v2 =	vmax.f32 v2, v6  }
0x110: {  	v0 =	vmax.f32 v0, v9;
	v1 =	vmax.f32 v1, v8;
	v3 =	vmax.f32 v3, v4  }
0x111: {  	s26 =	sadd.s32 $0x1, s26;
	v0 =	vmax.f32 v0, v1;
	v63 =	vmax.f32 v3, v2  }
0x112: {  	p0 =	sne.s32 s26, s20;
	v0 =	vmax.f32 v0, v63  }
.Ltmp16:
0x113: {  	[tilespmem:$0x10180] =	vst v0;
	(pc) =	sbr.rel @p0 .LBB2_1-.Ltmp16, $4  }
0x114: {  	[hbm4b:s19+s2] =	stream.linear.scatter [tilespmem:s24], [sflag:$0x3], $0x200, $0x38;
	[tilespmem:$0x10200] =	vst v63  }
0x115: {  	_ =	swait.ge [sflag:s25], $0x200  }
0x116: {  	[sflag:s25] =	ssyncset.done $0x0  }
0x117: {  	[sflag:s25] =	ssyncadd.s32 $0xFFFFFE00  }
0x118: {  	_ =	sfence.sel $0x180000  }
0x119: {  	[bflag:$0x0] =	sbarrier.arrive $0xFFFF  }
0x11a: {  	p0 =	sne.s32 s1, $0x0;
	_ =	strace $0x90000047  }
0x11b: {  	s0 =	sadd.s32 @!p0 $0x100000, s0;
	[bflag:$0x2] =	sbarrier.arrive $0xFFFF  }
0x11c: {  	[sflag:s0] =	ssyncadd.tile.s32 @!p0 $0x1;
	_ =	shalt  }
.Lfunc_end2:
_tile_overlayer_lowered:
.L_overlay_start_2:
0x11d: {  	(tag) =	ssettag $0x2  }
0x11e: {  	s0 =	rddreg [dreg:$0x0];
	s2 =	stileid.u32  }
0x11f: {  	s1 =	rddreg [dreg:$0x1];
	p0 =	sne.s32 s2, $0x0  }
0x120: {  	s3 =	rddreg [dreg:$0x2];
	[bflag:$0x3] =	sbarrier.arrive $0xFFFF;
	s2 =	simm.s32 @!p0 $0x1C03  }
0x121: {  	[timem:s3], [sflag:s2] =	dma.local @!p0 [hbm:s0], s1  }
0x122: {  	s0 =	simm.s32 @!p0 $0x3  }
0x123: {  	_ =	swait.ge @!p0 [sflag:s0], s1  }
0x124: {  	s1 =	ssub.s32 @!p0 $0x0, s1;
	[sflag:s0] =	ssyncset.done @!p0 $0x0  }
0x125: {  	[sflag:s0] =	ssyncadd.s32 @!p0 s1  }
0x126: {  	[bflag:$0x3] =	sbarrier.arrive $0xFFFF  }
0x127: {  	_ =	shalt  }

</sc_bundles>
